<compile_context>
chip_gen: v7x
topology: tpu7x:2x2x1
jax: 0.10.2.dev20260603
libtpu: 0.0.44.dev20260713+nightly
codegen_flags: <defaults>
</compile_context>

<pallas_src>
import functools

import numpy as np
import jax
import jax.numpy as jnp
from jax import lax
from jax.experimental import pallas as pl
from jax.experimental.pallas import tpu as pltpu
from jax.experimental.pallas import tpu_sc as plsc

Nx = 512
Ny = 512
Nu = 768
NTHETA = 90
NC = 2
NS = 16
L = 16
VPC = NTHETA // NC
RPT = Ny // NS
XB = Nx // L
ACC_N = VPC * Nu
SLICE = ACC_N // NS
TABN = 2048
TAB2 = 2 * TABN


def _make_tables():
    th = np.arange(NTHETA, dtype=np.float32) * np.float32(np.pi / NTHETA)
    cos_t = np.cos(th)
    sin_t = np.sin(th)
    ac, asn = np.abs(cos_t), np.abs(sin_t)
    h = np.minimum(1.0 / np.maximum(ac, 1e-12),
                   1.0 / np.maximum(asn, 1e-12)).astype(np.float32)
    b1 = np.abs(asn - ac)
    b2 = asn + ac
    r1 = (b2 - b1) * np.float32(0.5)
    r2 = (b2 + b1) * np.float32(0.5)
    r3 = b2
    bigA = h / (2.0 * np.maximum(r1, np.float32(1e-6)))
    atot = h * (b1 + b2) * np.float32(0.5)

    x_type = ac >= asn
    order = []
    nxv = []
    for cidx in range(NC):
        vs = np.arange(cidx * VPC, (cidx + 1) * VPC)
        xs = [v for v in vs if x_type[v]]
        ys = [v for v in vs if not x_type[v]]
        nxv.append(len(xs))
        order.extend(xs + ys)
    order = np.asarray(order, np.int32)
    inv = np.argsort(order).astype(np.int32)

    P = np.where(x_type, cos_t, sin_t)
    Q = np.where(x_type, sin_t, cos_t)
    R = -(Nx - 1) / 2.0 * (P + Q) - b2 * np.float32(0.5) \
        + np.float32((Nu - 1) / 2.0 + 256.0)
    par = np.stack([P * TABN, Q * TABN, R * TABN, atot],
                   axis=1).astype(np.float32)
    par = par[order]
    par = np.repeat(par[:, :, None], L, axis=2)

    ctab = np.repeat(np.arange(Ny, dtype=np.float32)[:, None], L, axis=1)
    voff = (np.arange(VPC, dtype=np.int32) * Nu - 256)[:, None] \
        + np.zeros((1, L), np.int32)

    f = ((np.arange(TABN, dtype=np.float64) + 0.5) / TABN)[None, :]
    r1d, r2d, r3d = (x.astype(np.float64)[:, None] for x in (r1, r2, r3))
    hd = h.astype(np.float64)[:, None]
    Ad = bigA.astype(np.float64)[:, None]
    atd = atot.astype(np.float64)[:, None]

    def F(t):
        c1 = np.clip(t, 0.0, r1d)
        c2 = np.clip(t, r1d, r2d) - r1d
        c3 = np.clip(t, r2d, r3d) - r2d
        return Ad * (c1 - c3) * (c1 + c3) + hd * (c2 + c3)

    F1 = F(0.5 - f)
    F2 = F(1.5 - f)
    wtab = np.stack([F1, atd - F2], axis=1)
    wtab = wtab.astype(np.float32)[order].reshape(NTHETA * TAB2)
    return par, ctab, voff, wtab, np.asarray(nxv, np.int32), inv


_PAR, _CTAB, _VOFF, _WTAB, _NXV, _INV = _make_tables()

_mesh = plsc.VectorSubcoreMesh(core_axis_name="c", subcore_axis_name="s")


@functools.partial(
    pl.kernel,
    out_type=jax.ShapeDtypeStruct((NTHETA * Nu,), jnp.float32),
    mesh=_mesh,
    scratch_types=[
        pltpu.VMEM((RPT, Nx), jnp.float32),
        pltpu.VMEM((RPT, Ny), jnp.float32),
        pltpu.VMEM((VPC, 4, L), jnp.float32),
        pltpu.VMEM((VPC, L), jnp.int32),
        pltpu.VMEM((RPT, L), jnp.float32),
        pltpu.VMEM((2, TAB2), jnp.float32),
        pltpu.VMEM((ACC_N,), jnp.float32),
        pltpu.VMEM((SLICE,), jnp.float32),
        pltpu.VMEM((SLICE,), jnp.float32),
        pltpu.VMEM_SHARED((NS, ACC_N), jnp.float32),
        pltpu.SemaphoreType.DMA,
    ],
    compiler_params=pltpu.CompilerParams(use_tc_tiling_on_sc=False,
                                         needs_layout_passes=False),
)
def _ct_project_sc(img_h, imgt_h, par_h, voff_h, ctab_h, wtab_h, out_h,
                   img_v, imgt_v, par_v, voff_v, ctab_v, tab_v, accv,
                   red_a, red_t, slots, sem):
    c = lax.axis_index("c")
    s = lax.axis_index("s")
    nxc = jnp.int32(_NXV[0]) + (jnp.int32(_NXV[1] - _NXV[0])) * c
    pltpu.sync_copy(img_h.at[pl.ds(s * RPT, RPT)], img_v)
    pltpu.sync_copy(imgt_h.at[pl.ds(s * RPT, RPT)], imgt_v)
    pltpu.sync_copy(par_h.at[pl.ds(c * VPC, VPC)], par_v)
    pltpu.sync_copy(voff_h, voff_v)
    pltpu.sync_copy(ctab_h.at[pl.ds(s * RPT, RPT)], ctab_v)
    pltpu.sync_copy(wtab_h.at[pl.ds(c * VPC * TAB2, TAB2)], tab_v.at[0])

    zero = jnp.zeros((L,), jnp.float32)
    lane_f = jnp.arange(L, dtype=jnp.int32).astype(jnp.float32)
    sh11 = jnp.full((L,), 11, jnp.int32)
    m2047 = jnp.full((L,), TABN - 1, jnp.int32)
    one_i = jnp.full((L,), 1, jnp.int32)
    two_i = jnp.full((L,), 2, jnp.int32)

    @pl.loop(0, ACC_N // L, unroll=8)
    def _zero(i):
        accv[pl.ds(i * L, L)] = zero

    @pl.loop(0, VPC)
    def _view(v):
        p = lax.rem(v, 2)
        coefP = par_v[v, 0, :]
        coefQ = par_v[v, 1, :]
        coefR = par_v[v, 2, :]
        atotv = par_v[v, 3, :]
        voffv = voff_v[v, :]
        step16 = coefP * np.float32(L)

        @pl.when(v + 1 < VPC)
        def _prefetch():
            pltpu.async_copy(
                wtab_h.at[pl.ds((c * VPC + v + 1) * TAB2, TAB2)],
                tab_v.at[1 - p], sem)

        tab0 = tab_v.at[p, pl.ds(0, TABN)]
        tab2 = tab_v.at[p, pl.ds(TABN, TABN)]

        def line_loop(gsrc):
            @pl.loop(0, RPT, step=2)
            def _line(r):
                cr = coefR + coefQ * ctab_v[r, :]
                u1i0a = coefP * lane_f + cr
                u1i0b = u1i0a + coefQ

                @plsc.parallel_loop(0, XB, carry=(u1i0a, u1i0b), unroll=8)
                def _blk(xb, u1i):
                    u1ia, u1ib = u1i
                    for u1ix, rr in ((u1ia, r), (u1ib, r + 1)):
                        ti = u1ix.astype(jnp.int32)
                        bi = jnp.right_shift(ti, sh11)
                        fi = jnp.bitwise_and(ti, m2047)
                        w0t = plsc.load_gather(tab0, [fi])
                        w2t = plsc.load_gather(tab2, [fi])
                        w1t = atotv - w0t - w2t
                        g = gsrc[rr, pl.ds(xb * L, L)]
                        i0 = bi + voffv
                        plsc.addupdate_scatter(accv, [i0], w0t * g)
                        plsc.addupdate_scatter(accv, [i0 + one_i], w1t * g)
                        plsc.addupdate_scatter(accv, [i0 + two_i], w2t * g)
                    return (u1ia + step16, u1ib + step16)

        @pl.when(v < nxc)
        def _xorient():
            line_loop(img_v)

        @pl.when(v >= nxc)
        def _yorient():
            line_loop(imgt_v)

        @pl.when(v + 1 < VPC)
        def _wait():
            pltpu.make_async_copy(
                wtab_h.at[pl.ds(0, TAB2)], tab_v.at[1 - p], sem).wait()

    pltpu.sync_copy(accv, slots.at[s])
    plsc.subcore_barrier()
    pltpu.sync_copy(slots.at[0, pl.ds(s * SLICE, SLICE)], red_a)

    @pl.loop(1, NS)
    def _slot(k):
        pltpu.sync_copy(slots.at[k, pl.ds(s * SLICE, SLICE)], red_t)

        @pl.loop(0, SLICE // L, unroll=8)
        def _add(i):
            red_a[pl.ds(i * L, L)] = red_a[pl.ds(i * L, L)] \
                + red_t[pl.ds(i * L, L)]

    pltpu.sync_copy(red_a, out_h.at[pl.ds(c * ACC_N + s * SLICE, SLICE)])


def kernel(img):
    out = _ct_project_sc(img, img.T, jnp.asarray(_PAR), jnp.asarray(_VOFF),
                         jnp.asarray(_CTAB), jnp.asarray(_WTAB))
    return out.reshape(NTHETA, Nu)[jnp.asarray(_INV)]

# --- scband reference (transcript-rebuilt; emitter-appended) ---
"""Pipeline reference for scband-ctprojector-parallel-beam2-d-54906861912127 (READ-ONLY COPY).

The authoritative reference and input builder live on the scoring server;
editing this copy changes nothing except your own understanding.
"""

import jax, jax.numpy as jnp
import numpy as np

Nx = 512
Ny = 512
dx = 1.0
dy = 1.0
Nu = 768
du = 1.0
NTHETA = 90
# Fixed upper bound on footprint width in detector bins. The torch code computes
# num_nonzero_pixels = max(ceil(u4_idx)-floor(u1_idx))+1 per view; with dx=dy=du=1 the
# trapezoid base b2 <= 2 so this is always <= 5. Entries beyond the true footprint get
# exactly zero area (u_B > u_A fails in all three segments), so using K=5 is the same math.
K = 5
THETA = np.arange(NTHETA, dtype=np.float32) * np.float32(np.pi / NTHETA)


def setup_inputs(seed: int = 0) -> dict:
    key = jax.random.key(seed)
    img = jax.random.normal(key, (Ny, Nx), dtype=jnp.float32)
    return {"img": img}


def _u_to_index(u):
    return u / du + (Nu - 1) / 2.0


def _index_to_u(idx):
    return (idx - (Nu - 1) / 2.0) * du


def _view_project(theta_i, img, y2d, x2d):
    cos_t = jnp.cos(theta_i)
    sin_t = jnp.sin(theta_i)
    abs_cos = jnp.abs(cos_t)
    abs_sin = jnp.abs(sin_t)
    h = jnp.minimum(dy / abs_cos, dx / abs_sin)
    b1 = jnp.abs(dy * abs_sin - dx * abs_cos)
    b2 = jnp.abs(dy * abs_sin + dx * abs_cos)
    u0 = x2d * cos_t + y2d * sin_t
    u1 = u0 - b2 / 2
    u2 = u0 - b1 / 2
    u3 = u0 + b1 / 2
    u4 = u0 + b2 / 2
    u1_index = _u_to_index(u1)
    base = jnp.floor(u1_index).astype(jnp.int32)
    pix = base[None, :, :] + jnp.arange(K, dtype=jnp.int32)[:, None, None]
    u = _index_to_u(pix.astype(jnp.float32))
    u_A = jnp.maximum(u1[None], u - du / 2)
    u_B = jnp.minimum(u2[None], u + du / 2)
    area = (u_B > u_A) * (h / (2.0 * (u2[None] - u1[None] + (u1 == u2)[None]))) * ((u_B - u1[None]) ** 2.0 - (u_A - u1[None]) ** 2.0)
    u_A = jnp.maximum(u2[None], u - du / 2)
    u_B = jnp.minimum(u3[None], u + du / 2)
    area = area + (u_B > u_A) * h * (u_B - u_A)
    u_A = jnp.maximum(u3[None], u - du / 2)
    u_B = jnp.minimum(u4[None], u + du / 2)
    area = area + (u_B > u_A) * (h / (2.0 * (u4[None] - u3[None] + (u3 == u4)[None]))) * ((u_A - u4[None]) ** 2.0 - (u_B - u4[None]) ** 2.0)
    contrib = area * img[None, :, :]
    proj_row = jnp.zeros((Nu,), dtype=jnp.float32).at[pix.reshape(-1)].add(contrib.reshape(-1))
    return proj_row


def reference(img):
    y = jnp.linspace(-(Ny - 1) / 2.0, (Ny - 1) / 2.0, Ny) * dy
    x = jnp.linspace(-(Nx - 1) / 2.0, (Nx - 1) / 2.0, Nx) * dx
    y2d, x2d = jnp.meshgrid(y, x, indexing='ij')
    proj = jax.lax.map(lambda th: _view_project(th, img, y2d, x2d), jnp.asarray(THETA))
    return proj

if __name__ == "__main__":
    import jax
    _d = setup_inputs()
    print(jax.jit(kernel)(*tuple(_d.values())))

</pallas_src>

<mosaic_0001>
#map = affine_map<(d0, d1) -> (0, 0)>
#map1 = affine_map<(d0, d1) -> (0, 0, 0)>
#map2 = affine_map<(d0, d1) -> (0)>
module attributes {stable_mosaic.version = 14 : i64} {
  func.func @_ct_project_sc(%arg0: i32, %arg1: i32, %arg2: memref<512x512xf32, #tpu.memory_space<hbm>>, %arg3: memref<512x512xf32, #tpu.memory_space<hbm>>, %arg4: memref<90x4x16xf32, #tpu.memory_space<hbm>>, %arg5: memref<45x16xi32, #tpu.memory_space<hbm>>, %arg6: memref<512x16xf32, #tpu.memory_space<hbm>>, %arg7: memref<368640xf32, #tpu.memory_space<hbm>>, %arg8: memref<69120xf32, #tpu.memory_space<hbm>>, %arg9: memref<32x512xf32, #tpu.memory_space<vmem>>, %arg10: memref<32x512xf32, #tpu.memory_space<vmem>>, %arg11: memref<45x4x16xf32, #tpu.memory_space<vmem>>, %arg12: memref<45x16xi32, #tpu.memory_space<vmem>>, %arg13: memref<32x16xf32, #tpu.memory_space<vmem>>, %arg14: memref<2x4096xf32, #tpu.memory_space<vmem>>, %arg15: memref<34560xf32, #tpu.memory_space<vmem>>, %arg16: memref<2160xf32, #tpu.memory_space<vmem>>, %arg17: memref<2160xf32, #tpu.memory_space<vmem>>, %arg18: memref<16x34560xf32, #tpu.memory_space<vmem_shared>>, %arg19: memref<!tpu.dma_semaphore, #tpu.memory_space<semaphore_mem>>) attributes {dimension_semantics = [#tpu.dimension_semantics<core_parallel>, #tpu.dimension_semantics<subcore_parallel>], iteration_bounds = array<i64: 2, 16>, scalar_prefetch = 0 : i64, scratch_operands = 11 : i64, tpu.core_type = #tpu.core_type<sc_vector_subcore>, window_params = [{transform_indices = #map}, {transform_indices = #map}, {transform_indices = #map1}, {transform_indices = #map}, {transform_indices = #map}, {transform_indices = #map2}, {transform_indices = #map2}]} {
    %mul3A = arith.constant -1 : i32
    %mul3A_0 = arith.muli %mul3A, %arg0 : i32
    %add3A = arith.constant 23 : i32
    %add3A_1 = arith.addi %add3A, %mul3A_0 : i32
    %mul3A_2 = arith.constant 32 : i32
    %mul3A_3 = arith.muli %arg1, %mul3A_2 : i32
    "tpu.region"() ({
      %run_scoped3A_45 = tpu.sem_alloc : memref<!tpu.dma_semaphore, #tpu.memory_space<semaphore_mem>>
      %dma_start3A = arith.constant 0 : i32
      %dma_start3A_46 = tpu.memref_slice %arg2[%mul3A_3, %dma_start3A] : memref<512x512xf32, #tpu.memory_space<hbm>> -> memref<32x512xf32, #tpu.memory_space<hbm>>
      %dma_start3A_47 = arith.constant 0 : i32
      %dma_start3A_48 = tpu.memref_slice %arg2[%mul3A_3, %dma_start3A_47] : memref<512x512xf32, #tpu.memory_space<hbm>> -> memref<32x512xf32, #tpu.memory_space<hbm>>
      tpu.enqueue_dma source(%dma_start3A_48 : memref<32x512xf32, #tpu.memory_space<hbm>>) target(%arg9 : memref<32x512xf32, #tpu.memory_space<vmem>>) target_semaphore(%run_scoped3A_45 : memref<!tpu.dma_semaphore, #tpu.memory_space<semaphore_mem>>)
      %dma_wait3A = arith.constant 0 : i32
      %dma_wait3A_49 = tpu.memref_slice %arg2[%mul3A_3, %dma_wait3A] : memref<512x512xf32, #tpu.memory_space<hbm>> -> memref<32x512xf32, #tpu.memory_space<hbm>>
      %dma_wait3A_50 = arith.constant 0 : i32
      %dma_wait3A_51 = tpu.memref_slice %arg2[%mul3A_3, %dma_wait3A_50] : memref<512x512xf32, #tpu.memory_space<hbm>> -> memref<32x512xf32, #tpu.memory_space<hbm>>
      tpu.wait_dma2 semaphore(%run_scoped3A_45 : memref<!tpu.dma_semaphore, #tpu.memory_space<semaphore_mem>>) src(%dma_wait3A_51 : memref<32x512xf32, #tpu.memory_space<hbm>>) dst(%arg9 : memref<32x512xf32, #tpu.memory_space<vmem>>)
      tpu.yield
    }) : () -> ()
    %mul3A_4 = arith.constant 32 : i32
    %mul3A_5 = arith.muli %arg1, %mul3A_4 : i32
    "tpu.region"() ({
      %run_scoped3A_45 = tpu.sem_alloc : memref<!tpu.dma_semaphore, #tpu.memory_space<semaphore_mem>>
      %dma_start3A = arith.constant 0 : i32
      %dma_start3A_46 = tpu.memref_slice %arg3[%mul3A_5, %dma_start3A] : memref<512x512xf32, #tpu.memory_space<hbm>> -> memref<32x512xf32, #tpu.memory_space<hbm>>
      %dma_start3A_47 = arith.constant 0 : i32
      %dma_start3A_48 = tpu.memref_slice %arg3[%mul3A_5, %dma_start3A_47] : memref<512x512xf32, #tpu.memory_space<hbm>> -> memref<32x512xf32, #tpu.memory_space<hbm>>
      tpu.enqueue_dma source(%dma_start3A_48 : memref<32x512xf32, #tpu.memory_space<hbm>>) target(%arg10 : memref<32x512xf32, #tpu.memory_space<vmem>>) target_semaphore(%run_scoped3A_45 : memref<!tpu.dma_semaphore, #tpu.memory_space<semaphore_mem>>)
      %dma_wait3A = arith.constant 0 : i32
      %dma_wait3A_49 = tpu.memref_slice %arg3[%mul3A_5, %dma_wait3A] : memref<512x512xf32, #tpu.memory_space<hbm>> -> memref<32x512xf32, #tpu.memory_space<hbm>>
      %dma_wait3A_50 = arith.constant 0 : i32
      %dma_wait3A_51 = tpu.memref_slice %arg3[%mul3A_5, %dma_wait3A_50] : memref<512x512xf32, #tpu.memory_space<hbm>> -> memref<32x512xf32, #tpu.memory_space<hbm>>
      tpu.wait_dma2 semaphore(%run_scoped3A_45 : memref<!tpu.dma_semaphore, #tpu.memory_space<semaphore_mem>>) src(%dma_wait3A_51 : memref<32x512xf32, #tpu.memory_space<hbm>>) dst(%arg10 : memref<32x512xf32, #tpu.memory_space<vmem>>)
      tpu.yield
    }) : () -> ()
    %mul3A_6 = arith.constant 45 : i32
    %mul3A_7 = arith.muli %arg0, %mul3A_6 : i32
    "tpu.region"() ({
      %run_scoped3A_45 = tpu.sem_alloc : memref<!tpu.dma_semaphore, #tpu.memory_space<semaphore_mem>>
      %dma_start3A = arith.constant 0 : i32
      %dma_start3A_46 = arith.constant 0 : i32
      %dma_start3A_47 = tpu.memref_slice %arg4[%mul3A_7, %dma_start3A, %dma_start3A_46] : memref<90x4x16xf32, #tpu.memory_space<hbm>> -> memref<45x4x16xf32, #tpu.memory_space<hbm>>
      %dma_start3A_48 = arith.constant 0 : i32
      %dma_start3A_49 = arith.constant 0 : i32
      %dma_start3A_50 = tpu.memref_slice %arg4[%mul3A_7, %dma_start3A_48, %dma_start3A_49] : memref<90x4x16xf32, #tpu.memory_space<hbm>> -> memref<45x4x16xf32, #tpu.memory_space<hbm>>
      tpu.enqueue_dma source(%dma_start3A_50 : memref<45x4x16xf32, #tpu.memory_space<hbm>>) target(%arg11 : memref<45x4x16xf32, #tpu.memory_space<vmem>>) target_semaphore(%run_scoped3A_45 : memref<!tpu.dma_semaphore, #tpu.memory_space<semaphore_mem>>)
      %dma_wait3A = arith.constant 0 : i32
      %dma_wait3A_51 = arith.constant 0 : i32
      %dma_wait3A_52 = tpu.memref_slice %arg4[%mul3A_7, %dma_wait3A, %dma_wait3A_51] : memref<90x4x16xf32, #tpu.memory_space<hbm>> -> memref<45x4x16xf32, #tpu.memory_space<hbm>>
      %dma_wait3A_53 = arith.constant 0 : i32
      %dma_wait3A_54 = arith.constant 0 : i32
      %dma_wait3A_55 = tpu.memref_slice %arg4[%mul3A_7, %dma_wait3A_53, %dma_wait3A_54] : memref<90x4x16xf32, #tpu.memory_space<hbm>> -> memref<45x4x16xf32, #tpu.memory_space<hbm>>
      tpu.wait_dma2 semaphore(%run_scoped3A_45 : memref<!tpu.dma_semaphore, #tpu.memory_space<semaphore_mem>>) src(%dma_wait3A_55 : memref<45x4x16xf32, #tpu.memory_space<hbm>>) dst(%arg11 : memref<45x4x16xf32, #tpu.memory_space<vmem>>)
      tpu.yield
    }) : () -> ()
    "tpu.region"() ({
      %run_scoped3A_45 = tpu.sem_alloc : memref<!tpu.dma_semaphore, #tpu.memory_space<semaphore_mem>>
      tpu.enqueue_dma source(%arg5 : memref<45x16xi32, #tpu.memory_space<hbm>>) target(%arg12 : memref<45x16xi32, #tpu.memory_space<vmem>>) target_semaphore(%run_scoped3A_45 : memref<!tpu.dma_semaphore, #tpu.memory_space<semaphore_mem>>)
      tpu.wait_dma2 semaphore(%run_scoped3A_45 : memref<!tpu.dma_semaphore, #tpu.memory_space<semaphore_mem>>) src(%arg5 : memref<45x16xi32, #tpu.memory_space<hbm>>) dst(%arg12 : memref<45x16xi32, #tpu.memory_space<vmem>>)
      tpu.yield
    }) : () -> ()
    %mul3A_8 = arith.constant 32 : i32
    %mul3A_9 = arith.muli %arg1, %mul3A_8 : i32
    "tpu.region"() ({
      %run_scoped3A_45 = tpu.sem_alloc : memref<!tpu.dma_semaphore, #tpu.memory_space<semaphore_mem>>
      %dma_start3A = arith.constant 0 : i32
      %dma_start3A_46 = tpu.memref_slice %arg6[%mul3A_9, %dma_start3A] : memref<512x16xf32, #tpu.memory_space<hbm>> -> memref<32x16xf32, #tpu.memory_space<hbm>>
      %dma_start3A_47 = arith.constant 0 : i32
      %dma_start3A_48 = tpu.memref_slice %arg6[%mul3A_9, %dma_start3A_47] : memref<512x16xf32, #tpu.memory_space<hbm>> -> memref<32x16xf32, #tpu.memory_space<hbm>>
      tpu.enqueue_dma source(%dma_start3A_48 : memref<32x16xf32, #tpu.memory_space<hbm>>) target(%arg13 : memref<32x16xf32, #tpu.memory_space<vmem>>) target_semaphore(%run_scoped3A_45 : memref<!tpu.dma_semaphore, #tpu.memory_space<semaphore_mem>>)
      %dma_wait3A = arith.constant 0 : i32
      %dma_wait3A_49 = tpu.memref_slice %arg6[%mul3A_9, %dma_wait3A] : memref<512x16xf32, #tpu.memory_space<hbm>> -> memref<32x16xf32, #tpu.memory_space<hbm>>
      %dma_wait3A_50 = arith.constant 0 : i32
      %dma_wait3A_51 = tpu.memref_slice %arg6[%mul3A_9, %dma_wait3A_50] : memref<512x16xf32, #tpu.memory_space<hbm>> -> memref<32x16xf32, #tpu.memory_space<hbm>>
      tpu.wait_dma2 semaphore(%run_scoped3A_45 : memref<!tpu.dma_semaphore, #tpu.memory_space<semaphore_mem>>) src(%dma_wait3A_51 : memref<32x16xf32, #tpu.memory_space<hbm>>) dst(%arg13 : memref<32x16xf32, #tpu.memory_space<vmem>>)
      tpu.yield
    }) : () -> ()
    %mul3A_10 = arith.constant 45 : i32
    %mul3A_11 = arith.muli %arg0, %mul3A_10 : i32
    %mul3A_12 = arith.constant 4096 : i32
    %mul3A_13 = arith.muli %mul3A_11, %mul3A_12 : i32
    %run_scoped3A = arith.constant 0 : i32
    "tpu.region"() ({
      %run_scoped3A_45 = tpu.sem_alloc : memref<!tpu.dma_semaphore, #tpu.memory_space<semaphore_mem>>
      %dma_start3A = arith.constant 0 : i32
      %dma_start3A_46 = tpu.memref_slice %arg14[%run_scoped3A, %dma_start3A] : memref<2x4096xf32, #tpu.memory_space<vmem>> -> memref<1x4096xf32, #tpu.memory_space<vmem>>
      %dma_start3A_47 = tpu.memref_squeeze %dma_start3A_46 : memref<1x4096xf32, #tpu.memory_space<vmem>> -> memref<4096xf32, #tpu.memory_space<vmem>>
      %dma_start3A_48 = tpu.memref_slice %arg7[%mul3A_13] : memref<368640xf32, #tpu.memory_space<hbm>> -> memref<4096xf32, #tpu.memory_space<hbm>>
      %dma_start3A_49 = arith.constant 0 : i32
      %dma_start3A_50 = tpu.memref_slice %arg14[%run_scoped3A, %dma_start3A_49] : memref<2x4096xf32, #tpu.memory_space<vmem>> -> memref<1x4096xf32, #tpu.memory_space<vmem>>
      %dma_start3A_51 = tpu.memref_squeeze %dma_start3A_50 : memref<1x4096xf32, #tpu.memory_space<vmem>> -> memref<4096xf32, #tpu.memory_space<vmem>>
      %dma_start3A_52 = tpu.memref_slice %arg7[%mul3A_13] : memref<368640xf32, #tpu.memory_space<hbm>> -> memref<4096xf32, #tpu.memory_space<hbm>>
      tpu.enqueue_dma source(%dma_start3A_52 : memref<4096xf32, #tpu.memory_space<hbm>>) target(%dma_start3A_51 : memref<4096xf32, #tpu.memory_space<vmem>>) target_semaphore(%run_scoped3A_45 : memref<!tpu.dma_semaphore, #tpu.memory_space<semaphore_mem>>)
      %dma_wait3A = arith.constant 0 : i32
      %dma_wait3A_53 = tpu.memref_slice %arg14[%run_scoped3A, %dma_wait3A] : memref<2x4096xf32, #tpu.memory_space<vmem>> -> memref<1x4096xf32, #tpu.memory_space<vmem>>
      %dma_wait3A_54 = tpu.memref_squeeze %dma_wait3A_53 : memref<1x4096xf32, #tpu.memory_space<vmem>> -> memref<4096xf32, #tpu.memory_space<vmem>>
      %dma_wait3A_55 = tpu.memref_slice %arg7[%mul3A_13] : memref<368640xf32, #tpu.memory_space<hbm>> -> memref<4096xf32, #tpu.memory_space<hbm>>
      %dma_wait3A_56 = arith.constant 0 : i32
      %dma_wait3A_57 = tpu.memref_slice %arg14[%run_scoped3A, %dma_wait3A_56] : memref<2x4096xf32, #tpu.memory_space<vmem>> -> memref<1x4096xf32, #tpu.memory_space<vmem>>
      %dma_wait3A_58 = tpu.memref_squeeze %dma_wait3A_57 : memref<1x4096xf32, #tpu.memory_space<vmem>> -> memref<4096xf32, #tpu.memory_space<vmem>>
      %dma_wait3A_59 = tpu.memref_slice %arg7[%mul3A_13] : memref<368640xf32, #tpu.memory_space<hbm>> -> memref<4096xf32, #tpu.memory_space<hbm>>
      tpu.wait_dma2 semaphore(%run_scoped3A_45 : memref<!tpu.dma_semaphore, #tpu.memory_space<semaphore_mem>>) src(%dma_wait3A_59 : memref<4096xf32, #tpu.memory_space<hbm>>) dst(%dma_wait3A_58 : memref<4096xf32, #tpu.memory_space<vmem>>)
      tpu.yield
    }) : () -> ()
    %broadcast_in_dim3A = arith.constant 0.000000e+00 : f32
    %broadcast_in_dim3A_14 = vector.broadcast %broadcast_in_dim3A : f32 to vector<16xf32>
    %iota3A = tpu.iota {dimensions = array<i32: 0>} : vector<16xi32>
    %convert_element_type3A = arith.sitofp %iota3A : vector<16xi32> to vector<16xf32>
    %broadcast_in_dim3A_15 = arith.constant 11 : i32
    %broadcast_in_dim3A_16 = vector.broadcast %broadcast_in_dim3A_15 : i32 to vector<16xi32>
    %broadcast_in_dim3A_17 = arith.constant 2047 : i32
    %broadcast_in_dim3A_18 = vector.broadcast %broadcast_in_dim3A_17 : i32 to vector<16xi32>
    %broadcast_in_dim3A_19 = arith.constant 1 : i32
    %broadcast_in_dim3A_20 = vector.broadcast %broadcast_in_dim3A_19 : i32 to vector<16xi32>
    %broadcast_in_dim3A_21 = arith.constant 2 : i32
    %broadcast_in_dim3A_22 = vector.broadcast %broadcast_in_dim3A_21 : i32 to vector<16xi32>
    %scan3A = arith.constant 0 : i32
    %scan3A_23 = arith.constant 2160 : i32
    %scan3A_24 = arith.addi %scan3A, %scan3A_23 : i32
    %scan3A_25 = arith.constant 8 : i32
    scf.for %scan3A_45 = %scan3A to %scan3A_24 step %scan3A_25  : i32 {
      %mul3A_46 = arith.constant 1 : i32
      %mul3A_47 = arith.muli %scan3A_45, %mul3A_46 : i32
      %add3A_48 = arith.constant 0 : i32
      %add3A_49 = arith.addi %add3A_48, %mul3A_47 : i32
      %mul3A_50 = arith.constant 16 : i32
      %mul3A_51 = arith.muli %add3A_49, %mul3A_50 : i32
      %swap3A = arith.index_cast %mul3A_51 : i32 to index
      %swap3A_52 = tpu.vector_load %arg15[%swap3A] {strides = array<i32>} : memref<34560xf32, #tpu.memory_space<vmem>>, vector<16xf32>,
      tpu.vector_store %arg15[%swap3A], %broadcast_in_dim3A_14 {strides = array<i32>} : memref<34560xf32, #tpu.memory_space<vmem>>, vector<16xf32>,
      %scan3A_53 = arith.constant 1 : i32
      %scan3A_54 = arith.addi %scan3A_45, %scan3A_53 : i32
      %mul3A_55 = arith.constant 1 : i32
      %mul3A_56 = arith.muli %scan3A_54, %mul3A_55 : i32
      %add3A_57 = arith.constant 0 : i32
      %add3A_58 = arith.addi %add3A_57, %mul3A_56 : i32
      %mul3A_59 = arith.constant 16 : i32
      %mul3A_60 = arith.muli %add3A_58, %mul3A_59 : i32
      %swap3A_61 = arith.index_cast %mul3A_60 : i32 to index
      %swap3A_62 = tpu.vector_load %arg15[%swap3A_61] {strides = array<i32>} : memref<34560xf32, #tpu.memory_space<vmem>>, vector<16xf32>,
      tpu.vector_store %arg15[%swap3A_61], %broadcast_in_dim3A_14 {strides = array<i32>} : memref<34560xf32, #tpu.memory_space<vmem>>, vector<16xf32>,
      %scan3A_63 = arith.constant 2 : i32
      %scan3A_64 = arith.addi %scan3A_45, %scan3A_63 : i32
      %mul3A_65 = arith.constant 1 : i32
      %mul3A_66 = arith.muli %scan3A_64, %mul3A_65 : i32
      %add3A_67 = arith.constant 0 : i32
      %add3A_68 = arith.addi %add3A_67, %mul3A_66 : i32
      %mul3A_69 = arith.constant 16 : i32
      %mul3A_70 = arith.muli %add3A_68, %mul3A_69 : i32
      %swap3A_71 = arith.index_cast %mul3A_70 : i32 to index
      %swap3A_72 = tpu.vector_load %arg15[%swap3A_71] {strides = array<i32>} : memref<34560xf32, #tpu.memory_space<vmem>>, vector<16xf32>,
      tpu.vector_store %arg15[%swap3A_71], %broadcast_in_dim3A_14 {strides = array<i32>} : memref<34560xf32, #tpu.memory_space<vmem>>, vector<16xf32>,
      %scan3A_73 = arith.constant 3 : i32
      %scan3A_74 = arith.addi %scan3A_45, %scan3A_73 : i32
      %mul3A_75 = arith.constant 1 : i32
      %mul3A_76 = arith.muli %scan3A_74, %mul3A_75 : i32
      %add3A_77 = arith.constant 0 : i32
      %add3A_78 = arith.addi %add3A_77, %mul3A_76 : i32
      %mul3A_79 = arith.constant 16 : i32
      %mul3A_80 = arith.muli %add3A_78, %mul3A_79 : i32
      %swap3A_81 = arith.index_cast %mul3A_80 : i32 to index
      %swap3A_82 = tpu.vector_load %arg15[%swap3A_81] {strides = array<i32>} : memref<34560xf32, #tpu.memory_space<vmem>>, vector<16xf32>,
      tpu.vector_store %arg15[%swap3A_81], %broadcast_in_dim3A_14 {strides = array<i32>} : memref<34560xf32, #tpu.memory_space<vmem>>, vector<16xf32>,
      %scan3A_83 = arith.constant 4 : i32
      %scan3A_84 = arith.addi %scan3A_45, %scan3A_83 : i32
      %mul3A_85 = arith.constant 1 : i32
      %mul3A_86 = arith.muli %scan3A_84, %mul3A_85 : i32
      %add3A_87 = arith.constant 0 : i32
      %add3A_88 = arith.addi %add3A_87, %mul3A_86 : i32
      %mul3A_89 = arith.constant 16 : i32
      %mul3A_90 = arith.muli %add3A_88, %mul3A_89 : i32
      %swap3A_91 = arith.index_cast %mul3A_90 : i32 to index
      %swap3A_92 = tpu.vector_load %arg15[%swap3A_91] {strides = array<i32>} : memref<34560xf32, #tpu.memory_space<vmem>>, vector<16xf32>,
      tpu.vector_store %arg15[%swap3A_91], %broadcast_in_dim3A_14 {strides = array<i32>} : memref<34560xf32, #tpu.memory_space<vmem>>, vector<16xf32>,
      %scan3A_93 = arith.constant 5 : i32
      %scan3A_94 = arith.addi %scan3A_45, %scan3A_93 : i32
      %mul3A_95 = arith.constant 1 : i32
      %mul3A_96 = arith.muli %scan3A_94, %mul3A_95 : i32
      %add3A_97 = arith.constant 0 : i32
      %add3A_98 = arith.addi %add3A_97, %mul3A_96 : i32
      %mul3A_99 = arith.constant 16 : i32
      %mul3A_100 = arith.muli %add3A_98, %mul3A_99 : i32
      %swap3A_101 = arith.index_cast %mul3A_100 : i32 to index
      %swap3A_102 = tpu.vector_load %arg15[%swap3A_101] {strides = array<i32>} : memref<34560xf32, #tpu.memory_space<vmem>>, vector<16xf32>,
      tpu.vector_store %arg15[%swap3A_101], %broadcast_in_dim3A_14 {strides = array<i32>} : memref<34560xf32, #tpu.memory_space<vmem>>, vector<16xf32>,
      %scan3A_103 = arith.constant 6 : i32
      %scan3A_104 = arith.addi %scan3A_45, %scan3A_103 : i32
      %mul3A_105 = arith.constant 1 : i32
      %mul3A_106 = arith.muli %scan3A_104, %mul3A_105 : i32
      %add3A_107 = arith.constant 0 : i32
      %add3A_108 = arith.addi %add3A_107, %mul3A_106 : i32
      %mul3A_109 = arith.constant 16 : i32
      %mul3A_110 = arith.muli %add3A_108, %mul3A_109 : i32
      %swap3A_111 = arith.index_cast %mul3A_110 : i32 to index
      %swap3A_112 = tpu.vector_load %arg15[%swap3A_111] {strides = array<i32>} : memref<34560xf32, #tpu.memory_space<vmem>>, vector<16xf32>,
      tpu.vector_store %arg15[%swap3A_111], %broadcast_in_dim3A_14 {strides = array<i32>} : memref<34560xf32, #tpu.memory_space<vmem>>, vector<16xf32>,
      %scan3A_113 = arith.constant 7 : i32
      %scan3A_114 = arith.addi %scan3A_45, %scan3A_113 : i32
      %mul3A_115 = arith.constant 1 : i32
      %mul3A_116 = arith.muli %scan3A_114, %mul3A_115 : i32
      %add3A_117 = arith.constant 0 : i32
      %add3A_118 = arith.addi %add3A_117, %mul3A_116 : i32
      %mul3A_119 = arith.constant 16 : i32
      %mul3A_120 = arith.muli %add3A_118, %mul3A_119 : i32
      %swap3A_121 = arith.index_cast %mul3A_120 : i32 to index
      %swap3A_122 = tpu.vector_load %arg15[%swap3A_121] {strides = array<i32>} : memref<34560xf32, #tpu.memory_space<vmem>>, vector<16xf32>,
      tpu.vector_store %arg15[%swap3A_121], %broadcast_in_dim3A_14 {strides = array<i32>} : memref<34560xf32, #tpu.memory_space<vmem>>, vector<16xf32>,
    }
    %scan3A_26 = arith.constant 2160 : i32
    %scan3A_27 = arith.constant 0 : i32
    %scan3A_28 = arith.constant 45 : i32
    %scan3A_29 = arith.addi %scan3A_27, %scan3A_28 : i32
    %scan3A_30 = arith.constant 1 : i32
    scf.for %scan3A_45 = %scan3A_27 to %scan3A_29 step %scan3A_30  : i32 {
      %mul3A_46 = arith.constant 1 : i32
      %mul3A_47 = arith.muli %scan3A_45, %mul3A_46 : i32
      %add3A_48 = arith.constant 0 : i32
      %add3A_49 = arith.addi %add3A_48, %mul3A_47 : i32
      %rem3A = arith.constant 2 : i32
      %rem3A_50 = arith.remsi %add3A_49, %rem3A : i32
      %get3A = arith.constant 0 : i32
      %get3A_51 = arith.index_cast %add3A_49 : i32 to index
      %get3A_52 = arith.index_cast %get3A : i32 to index
      %get3A_53 = arith.constant 0 : index
      %get3A_54 = tpu.vector_load %arg11[%get3A_51, %get3A_52, %get3A_53] {strides = array<i32>} : memref<45x4x16xf32, #tpu.memory_space<vmem>>, vector<16xf32>,
      %get3A_55 = arith.constant 1 : i32
      %get3A_56 = arith.index_cast %add3A_49 : i32 to index
      %get3A_57 = arith.index_cast %get3A_55 : i32 to index
      %get3A_58 = arith.constant 0 : index
      %get3A_59 = tpu.vector_load %arg11[%get3A_56, %get3A_57, %get3A_58] {strides = array<i32>} : memref<45x4x16xf32, #tpu.memory_space<vmem>>, vector<16xf32>,
      %get3A_60 = arith.constant 2 : i32
      %get3A_61 = arith.index_cast %add3A_49 : i32 to index
      %get3A_62 = arith.index_cast %get3A_60 : i32 to index
      %get3A_63 = arith.constant 0 : index
      %get3A_64 = tpu.vector_load %arg11[%get3A_61, %get3A_62, %get3A_63] {strides = array<i32>} : memref<45x4x16xf32, #tpu.memory_space<vmem>>, vector<16xf32>,
      %get3A_65 = arith.constant 3 : i32
      %get3A_66 = arith.index_cast %add3A_49 : i32 to index
      %get3A_67 = arith.index_cast %get3A_65 : i32 to index
      %get3A_68 = arith.constant 0 : index
      %get3A_69 = tpu.vector_load %arg11[%get3A_66, %get3A_67, %get3A_68] {strides = array<i32>} : memref<45x4x16xf32, #tpu.memory_space<vmem>>, vector<16xf32>,
      %get3A_70 = arith.index_cast %add3A_49 : i32 to index
      %get3A_71 = arith.constant 0 : index
      %get3A_72 = tpu.vector_load %arg12[%get3A_70, %get3A_71] {strides = array<i32>} : memref<45x16xi32, #tpu.memory_space<vmem>>, vector<16xi32>,
      %mul3A_73 = arith.constant 1.600000e+01 : f32
      %mul3A_74 = vector.broadcast %mul3A_73 : f32 to vector<16xf32>
      %mul3A_75 = arith.mulf %get3A_54, %mul3A_74 : vector<16xf32>
      %add3A_76 = arith.constant 1 : i32
      %add3A_77 = arith.addi %add3A_49, %add3A_76 : i32
      %lt3A = arith.constant 45 : i32
      %lt3A_78 = arith.cmpi slt, %add3A_77, %lt3A : i32
      %convert_element_type3A_79 = arith.extui %lt3A_78 : i1 to i32
      %cond3A = arith.constant 0 : i32
      %cond3A_80 = arith.cmpi ne, %convert_element_type3A_79, %cond3A : i32
      scf.if %cond3A_80 {
        %mul3A_95 = arith.constant 45 : i32
        %mul3A_96 = arith.muli %arg0, %mul3A_95 : i32
        %add3A_97 = arith.addi %mul3A_96, %add3A_49 : i32
        %add3A_98 = arith.constant 1 : i32
        %add3A_99 = arith.addi %add3A_97, %add3A_98 : i32
        %mul3A_100 = arith.constant 4096 : i32
        %mul3A_101 = arith.muli %add3A_99, %mul3A_100 : i32
        %sub3A = arith.constant 1 : i32
        %sub3A_102 = arith.subi %sub3A, %rem3A_50 : i32
        %dma_start3A = arith.constant 0 : i32
        %dma_start3A_103 = tpu.memref_slice %arg14[%sub3A_102, %dma_start3A] : memref<2x4096xf32, #tpu.memory_space<vmem>> -> memref<1x4096xf32, #tpu.memory_space<vmem>>
        %dma_start3A_104 = tpu.memref_squeeze %dma_start3A_103 : memref<1x4096xf32, #tpu.memory_space<vmem>> -> memref<4096xf32, #tpu.memory_space<vmem>>
        %dma_start3A_105 = tpu.memref_slice %arg7[%mul3A_101] : memref<368640xf32, #tpu.memory_space<hbm>> -> memref<4096xf32, #tpu.memory_space<hbm>>
        %dma_start3A_106 = arith.constant 0 : i32
        %dma_start3A_107 = tpu.memref_slice %arg14[%sub3A_102, %dma_start3A_106] : memref<2x4096xf32, #tpu.memory_space<vmem>> -> memref<1x4096xf32, #tpu.memory_space<vmem>>
        %dma_start3A_108 = tpu.memref_squeeze %dma_start3A_107 : memref<1x4096xf32, #tpu.memory_space<vmem>> -> memref<4096xf32, #tpu.memory_space<vmem>>
        %dma_start3A_109 = tpu.memref_slice %arg7[%mul3A_101] : memref<368640xf32, #tpu.memory_space<hbm>> -> memref<4096xf32, #tpu.memory_space<hbm>>
        tpu.enqueue_dma source(%dma_start3A_109 : memref<4096xf32, #tpu.memory_space<hbm>>) target(%dma_start3A_108 : memref<4096xf32, #tpu.memory_space<vmem>>) target_semaphore(%arg19 : memref<!tpu.dma_semaphore, #tpu.memory_space<semaphore_mem>>)
      } else {
      }
      %lt3A_81 = arith.cmpi slt, %add3A_49, %add3A_1 : i32
      %convert_element_type3A_82 = arith.extui %lt3A_81 : i1 to i32
      %cond3A_83 = arith.constant 0 : i32
      %cond3A_84 = arith.cmpi ne, %convert_element_type3A_82, %cond3A_83 : i32
      scf.if %cond3A_84 {
        %scan3A_95 = arith.constant 0 : i32
        %scan3A_96 = arith.constant 16 : i32
        %scan3A_97 = arith.addi %scan3A_95, %scan3A_96 : i32
        %scan3A_98 = arith.constant 1 : i32
        scf.for %scan3A_100 = %scan3A_95 to %scan3A_97 step %scan3A_98  : i32 {
          %mul3A_101 = arith.constant 2 : i32
          %mul3A_102 = arith.muli %scan3A_100, %mul3A_101 : i32
          %add3A_103 = arith.constant 0 : i32
          %add3A_104 = arith.addi %add3A_103, %mul3A_102 : i32
          %get3A_105 = arith.index_cast %add3A_104 : i32 to index
          %get3A_106 = arith.constant 0 : index
          %get3A_107 = tpu.vector_load %arg13[%get3A_105, %get3A_106] {strides = array<i32>} : memref<32x16xf32, #tpu.memory_space<vmem>>, vector<16xf32>,
          %mul3A_108 = arith.mulf %get3A_59, %get3A_107 : vector<16xf32>
          %add3A_109 = arith.addf %get3A_64, %mul3A_108 : vector<16xf32>
          %mul3A_110 = arith.mulf %get3A_54, %convert_element_type3A : vector<16xf32>
          %add3A_111 = arith.addf %mul3A_110, %add3A_109 : vector<16xf32>
          %add3A_112 = arith.addf %add3A_111, %get3A_59 : vector<16xf32>
          %parallel_loop3A = arith.constant 0 : i32
          %parallel_loop3A_113 = arith.constant 32 : i32
          %parallel_loop3A_114 = arith.constant 1 : i32
          %parallel_loop3A_115:2 = scf.for %parallel_loop3A_116 = %parallel_loop3A to %parallel_loop3A_113 step %parallel_loop3A_114 iter_args(%parallel_loop3A_117 = %add3A_111, %parallel_loop3A_118 = %add3A_112) -> (vector<16xf32>, vector<16xf32>)  : i32 {
            %parallel_loop3A_119 = arith.constant 1 : i32
            %parallel_loop3A_120 = arith.addi %add3A_104, %parallel_loop3A_119 : i32
            %parallel_loop3A_121 = arith.fptosi %parallel_loop3A_117 : vector<16xf32> to vector<16xi32>
            %parallel_loop3A_122 = arith.shrsi %parallel_loop3A_121, %broadcast_in_dim3A_16 : vector<16xi32>
            %parallel_loop3A_123 = arith.andi %parallel_loop3A_121, %broadcast_in_dim3A_18 : vector<16xi32>
            %parallel_loop3A_124 = arith.constant 0 : i32
            %parallel_loop3A_125 = tpu.memref_slice %arg14[%rem3A_50, %parallel_loop3A_124] : memref<2x4096xf32, #tpu.memory_space<vmem>> -> memref<1x2048xf32, #tpu.memory_space<vmem>>
            %parallel_loop3A_126 = tpu.memref_squeeze %parallel_loop3A_125 : memref<1x2048xf32, #tpu.memory_space<vmem>> -> memref<2048xf32, #tpu.memory_space<vmem>>
            %parallel_loop3A_127 = tpu.vector_load_idx %parallel_loop3A_126[%parallel_loop3A_123] : memref<2048xf32, #tpu.memory_space<vmem>>[vector<16xi32>], vector<16xf32>,
            %parallel_loop3A_128 = arith.constant 2048 : i32
            %parallel_loop3A_129 = tpu.memref_slice %arg14[%rem3A_50, %parallel_loop3A_128] : memref<2x4096xf32, #tpu.memory_space<vmem>> -> memref<1x2048xf32, #tpu.memory_space<vmem>>
            %parallel_loop3A_130 = tpu.memref_squeeze %parallel_loop3A_129 : memref<1x2048xf32, #tpu.memory_space<vmem>> -> memref<2048xf32, #tpu.memory_space<vmem>>
            %parallel_loop3A_131 = tpu.vector_load_idx %parallel_loop3A_130[%parallel_loop3A_123] : memref<2048xf32, #tpu.memory_space<vmem>>[vector<16xi32>], vector<16xf32>,
            %parallel_loop3A_132 = arith.subf %get3A_69, %parallel_loop3A_127 : vector<16xf32>
            %parallel_loop3A_133 = arith.subf %parallel_loop3A_132, %parallel_loop3A_131 : vector<16xf32>
            %parallel_loop3A_134 = arith.constant 16 : i32
            %parallel_loop3A_135 = arith.muli %parallel_loop3A_116, %parallel_loop3A_134 : i32
            %parallel_loop3A_136 = arith.index_cast %add3A_104 : i32 to index
            %parallel_loop3A_137 = arith.index_cast %parallel_loop3A_135 : i32 to index
            %parallel_loop3A_138 = tpu.vector_load %arg9[%parallel_loop3A_136, %parallel_loop3A_137] {strides = array<i32>} : memref<32x512xf32, #tpu.memory_space<vmem>>, vector<16xf32>,
            %parallel_loop3A_139 = arith.addi %parallel_loop3A_122, %get3A_72 : vector<16xi32>
            %parallel_loop3A_140 = arith.mulf %parallel_loop3A_127, %parallel_loop3A_138 : vector<16xf32>
            tpu.vector_store_idx %arg15[%parallel_loop3A_139], %parallel_loop3A_140 {add = true} : memref<34560xf32, #tpu.memory_space<vmem>>[vector<16xi32>], vector<16xf32>,
            %parallel_loop3A_141 = arith.addi %parallel_loop3A_139, %broadcast_in_dim3A_20 : vector<16xi32>
            %parallel_loop3A_142 = arith.mulf %parallel_loop3A_133, %parallel_loop3A_138 : vector<16xf32>
            tpu.vector_store_idx %arg15[%parallel_loop3A_141], %parallel_loop3A_142 {add = true} : memref<34560xf32, #tpu.memory_space<vmem>>[vector<16xi32>], vector<16xf32>,
            %parallel_loop3A_143 = arith.addi %parallel_loop3A_139, %broadcast_in_dim3A_22 : vector<16xi32>
            %parallel_loop3A_144 = arith.mulf %parallel_loop3A_131, %parallel_loop3A_138 : vector<16xf32>
            tpu.vector_store_idx %arg15[%parallel_loop3A_143], %parallel_loop3A_144 {add = true} : memref<34560xf32, #tpu.memory_space<vmem>>[vector<16xi32>], vector<16xf32>,
            %parallel_loop3A_145 = arith.fptosi %parallel_loop3A_118 : vector<16xf32> to vector<16xi32>
            %parallel_loop3A_146 = arith.shrsi %parallel_loop3A_145, %broadcast_in_dim3A_16 : vector<16xi32>
            %parallel_loop3A_147 = arith.andi %parallel_loop3A_145, %broadcast_in_dim3A_18 : vector<16xi32>
            %parallel_loop3A_148 = arith.constant 0 : i32
            %parallel_loop3A_149 = tpu.memref_slice %arg14[%rem3A_50, %parallel_loop3A_148] : memref<2x4096xf32, #tpu.memory_space<vmem>> -> memref<1x2048xf32, #tpu.memory_space<vmem>>
            %parallel_loop3A_150 = tpu.memref_squeeze %parallel_loop3A_149 : memref<1x2048xf32, #tpu.memory_space<vmem>> -> memref<2048xf32, #tpu.memory_space<vmem>>
            %parallel_loop3A_151 = tpu.vector_load_idx %parallel_loop3A_150[%parallel_loop3A_147] : memref<2048xf32, #tpu.memory_space<vmem>>[vector<16xi32>], vector<16xf32>,
            %parallel_loop3A_152 = arith.constant 2048 : i32
            %parallel_loop3A_153 = tpu.memref_slice %arg14[%rem3A_50, %parallel_loop3A_152] : memref<2x4096xf32, #tpu.memory_space<vmem>> -> memref<1x2048xf32, #tpu.memory_space<vmem>>
            %parallel_loop3A_154 = tpu.memref_squeeze %parallel_loop3A_153 : memref<1x2048xf32, #tpu.memory_space<vmem>> -> memref<2048xf32, #tpu.memory_space<vmem>>
            %parallel_loop3A_155 = tpu.vector_load_idx %parallel_loop3A_154[%parallel_loop3A_147] : memref<2048xf32, #tpu.memory_space<vmem>>[vector<16xi32>], vector<16xf32>,
            %parallel_loop3A_156 = arith.subf %get3A_69, %parallel_loop3A_151 : vector<16xf32>
            %parallel_loop3A_157 = arith.subf %parallel_loop3A_156, %parallel_loop3A_155 : vector<16xf32>
            %parallel_loop3A_158 = arith.constant 16 : i32
            %parallel_loop3A_159 = arith.muli %parallel_loop3A_116, %parallel_loop3A_158 : i32
            %parallel_loop3A_160 = arith.index_cast %parallel_loop3A_120 : i32 to index
            %parallel_loop3A_161 = arith.index_cast %parallel_loop3A_159 : i32 to index
            %parallel_loop3A_162 = tpu.vector_load %arg9[%parallel_loop3A_160, %parallel_loop3A_161] {strides = array<i32>} : memref<32x512xf32, #tpu.memory_space<vmem>>, vector<16xf32>,
            %parallel_loop3A_163 = arith.addi %parallel_loop3A_146, %get3A_72 : vector<16xi32>
            %parallel_loop3A_164 = arith.mulf %parallel_loop3A_151, %parallel_loop3A_162 : vector<16xf32>
            tpu.vector_store_idx %arg15[%parallel_loop3A_163], %parallel_loop3A_164 {add = true} : memref<34560xf32, #tpu.memory_space<vmem>>[vector<16xi32>], vector<16xf32>,
            %parallel_loop3A_165 = arith.addi %parallel_loop3A_163, %broadcast_in_dim3A_20 : vector<16xi32>
            %parallel_loop3A_166 = arith.mulf %parallel_loop3A_157, %parallel_loop3A_162 : vector<16xf32>
            tpu.vector_store_idx %arg15[%parallel_loop3A_165], %parallel_loop3A_166 {add = true} : memref<34560xf32, #tpu.memory_space<vmem>>[vector<16xi32>], vector<16xf32>,
            %parallel_loop3A_167 = arith.addi %parallel_loop3A_163, %broadcast_in_dim3A_22 : vector<16xi32>
            %parallel_loop3A_168 = arith.mulf %parallel_loop3A_155, %parallel_loop3A_162 : vector<16xf32>
            tpu.vector_store_idx %arg15[%parallel_loop3A_167], %parallel_loop3A_168 {add = true} : memref<34560xf32, #tpu.memory_space<vmem>>[vector<16xi32>], vector<16xf32>,
            %parallel_loop3A_169 = arith.addf %parallel_loop3A_117, %mul3A_75 : vector<16xf32>
            %parallel_loop3A_170 = arith.addf %parallel_loop3A_118, %mul3A_75 : vector<16xf32>
            scf.yield %parallel_loop3A_169, %parallel_loop3A_170 : vector<16xf32>, vector<16xf32>
          } {sc.loop_unroll_factor = 8 : i64, sc.parallel_access}
        }
        %scan3A_99 = arith.constant 16 : i32
      } else {
      }
      %ge3A = arith.cmpi sge, %add3A_49, %add3A_1 : i32
      %convert_element_type3A_85 = arith.extui %ge3A : i1 to i32
      %cond3A_86 = arith.constant 0 : i32
      %cond3A_87 = arith.cmpi ne, %convert_element_type3A_85, %cond3A_86 : i32
      scf.if %cond3A_87 {
        %scan3A_95 = arith.constant 0 : i32
        %scan3A_96 = arith.constant 16 : i32
        %scan3A_97 = arith.addi %scan3A_95, %scan3A_96 : i32
        %scan3A_98 = arith.constant 1 : i32
        scf.for %scan3A_100 = %scan3A_95 to %scan3A_97 step %scan3A_98  : i32 {
          %mul3A_101 = arith.constant 2 : i32
          %mul3A_102 = arith.muli %scan3A_100, %mul3A_101 : i32
          %add3A_103 = arith.constant 0 : i32
          %add3A_104 = arith.addi %add3A_103, %mul3A_102 : i32
          %get3A_105 = arith.index_cast %add3A_104 : i32 to index
          %get3A_106 = arith.constant 0 : index
          %get3A_107 = tpu.vector_load %arg13[%get3A_105, %get3A_106] {strides = array<i32>} : memref<32x16xf32, #tpu.memory_space<vmem>>, vector<16xf32>,
          %mul3A_108 = arith.mulf %get3A_59, %get3A_107 : vector<16xf32>
          %add3A_109 = arith.addf %get3A_64, %mul3A_108 : vector<16xf32>
          %mul3A_110 = arith.mulf %get3A_54, %convert_element_type3A : vector<16xf32>
          %add3A_111 = arith.addf %mul3A_110, %add3A_109 : vector<16xf32>
          %add3A_112 = arith.addf %add3A_111, %get3A_59 : vector<16xf32>
          %parallel_loop3A = arith.constant 0 : i32
          %parallel_loop3A_113 = arith.constant 32 : i32
          %parallel_loop3A_114 = arith.constant 1 : i32
          %parallel_loop3A_115:2 = scf.for %parallel_loop3A_116 = %parallel_loop3A to %parallel_loop3A_113 step %parallel_loop3A_114 iter_args(%parallel_loop3A_117 = %add3A_111, %parallel_loop3A_118 = %add3A_112) -> (vector<16xf32>, vector<16xf32>)  : i32 {
            %parallel_loop3A_119 = arith.constant 1 : i32
            %parallel_loop3A_120 = arith.addi %add3A_104, %parallel_loop3A_119 : i32
            %parallel_loop3A_121 = arith.fptosi %parallel_loop3A_117 : vector<16xf32> to vector<16xi32>
            %parallel_loop3A_122 = arith.shrsi %parallel_loop3A_121, %broadcast_in_dim3A_16 : vector<16xi32>
            %parallel_loop3A_123 = arith.andi %parallel_loop3A_121, %broadcast_in_dim3A_18 : vector<16xi32>
            %parallel_loop3A_124 = arith.constant 0 : i32
            %parallel_loop3A_125 = tpu.memref_slice %arg14[%rem3A_50, %parallel_loop3A_124] : memref<2x4096xf32, #tpu.memory_space<vmem>> -> memref<1x2048xf32, #tpu.memory_space<vmem>>
            %parallel_loop3A_126 = tpu.memref_squeeze %parallel_loop3A_125 : memref<1x2048xf32, #tpu.memory_space<vmem>> -> memref<2048xf32, #tpu.memory_space<vmem>>
            %parallel_loop3A_127 = tpu.vector_load_idx %parallel_loop3A_126[%parallel_loop3A_123] : memref<2048xf32, #tpu.memory_space<vmem>>[vector<16xi32>], vector<16xf32>,
            %parallel_loop3A_128 = arith.constant 2048 : i32
            %parallel_loop3A_129 = tpu.memref_slice %arg14[%rem3A_50, %parallel_loop3A_128] : memref<2x4096xf32, #tpu.memory_space<vmem>> -> memref<1x2048xf32, #tpu.memory_space<vmem>>
            %parallel_loop3A_130 = tpu.memref_squeeze %parallel_loop3A_129 : memref<1x2048xf32, #tpu.memory_space<vmem>> -> memref<2048xf32, #tpu.memory_space<vmem>>
            %parallel_loop3A_131 = tpu.vector_load_idx %parallel_loop3A_130[%parallel_loop3A_123] : memref<2048xf32, #tpu.memory_space<vmem>>[vector<16xi32>], vector<16xf32>,
            %parallel_loop3A_132 = arith.subf %get3A_69, %parallel_loop3A_127 : vector<16xf32>
            %parallel_loop3A_133 = arith.subf %parallel_loop3A_132, %parallel_loop3A_131 : vector<16xf32>
            %parallel_loop3A_134 = arith.constant 16 : i32
            %parallel_loop3A_135 = arith.muli %parallel_loop3A_116, %parallel_loop3A_134 : i32
            %parallel_loop3A_136 = arith.index_cast %add3A_104 : i32 to index
            %parallel_loop3A_137 = arith.index_cast %parallel_loop3A_135 : i32 to index
            %parallel_loop3A_138 = tpu.vector_load %arg10[%parallel_loop3A_136, %parallel_loop3A_137] {strides = array<i32>} : memref<32x512xf32, #tpu.memory_space<vmem>>, vector<16xf32>,
            %parallel_loop3A_139 = arith.addi %parallel_loop3A_122, %get3A_72 : vector<16xi32>
            %parallel_loop3A_140 = arith.mulf %parallel_loop3A_127, %parallel_loop3A_138 : vector<16xf32>
            tpu.vector_store_idx %arg15[%parallel_loop3A_139], %parallel_loop3A_140 {add = true} : memref<34560xf32, #tpu.memory_space<vmem>>[vector<16xi32>], vector<16xf32>,
            %parallel_loop3A_141 = arith.addi %parallel_loop3A_139, %broadcast_in_dim3A_20 : vector<16xi32>
            %parallel_loop3A_142 = arith.mulf %parallel_loop3A_133, %parallel_loop3A_138 : vector<16xf32>
            tpu.vector_store_idx %arg15[%parallel_loop3A_141], %parallel_loop3A_142 {add = true} : memref<34560xf32, #tpu.memory_space<vmem>>[vector<16xi32>], vector<16xf32>,
            %parallel_loop3A_143 = arith.addi %parallel_loop3A_139, %broadcast_in_dim3A_22 : vector<16xi32>
            %parallel_loop3A_144 = arith.mulf %parallel_loop3A_131, %parallel_loop3A_138 : vector<16xf32>
            tpu.vector_store_idx %arg15[%parallel_loop3A_143], %parallel_loop3A_144 {add = true} : memref<34560xf32, #tpu.memory_space<vmem>>[vector<16xi32>], vector<16xf32>,
            %parallel_loop3A_145 = arith.fptosi %parallel_loop3A_118 : vector<16xf32> to vector<16xi32>
            %parallel_loop3A_146 = arith.shrsi %parallel_loop3A_145, %broadcast_in_dim3A_16 : vector<16xi32>
            %parallel_loop3A_147 = arith.andi %parallel_loop3A_145, %broadcast_in_dim3A_18 : vector<16xi32>
            %parallel_loop3A_148 = arith.constant 0 : i32
            %parallel_loop3A_149 = tpu.memref_slice %arg14[%rem3A_50, %parallel_loop3A_148] : memref<2x4096xf32, #tpu.memory_space<vmem>> -> memref<1x2048xf32, #tpu.memory_space<vmem>>
            %parallel_loop3A_150 = tpu.memref_squeeze %parallel_loop3A_149 : memref<1x2048xf32, #tpu.memory_space<vmem>> -> memref<2048xf32, #tpu.memory_space<vmem>>
            %parallel_loop3A_151 = tpu.vector_load_idx %parallel_loop3A_150[%parallel_loop3A_147] : memref<2048xf32, #tpu.memory_space<vmem>>[vector<16xi32>], vector<16xf32>,
            %parallel_loop3A_152 = arith.constant 2048 : i32
            %parallel_loop3A_153 = tpu.memref_slice %arg14[%rem3A_50, %parallel_loop3A_152] : memref<2x4096xf32, #tpu.memory_space<vmem>> -> memref<1x2048xf32, #tpu.memory_space<vmem>>
            %parallel_loop3A_154 = tpu.memref_squeeze %parallel_loop3A_153 : memref<1x2048xf32, #tpu.memory_space<vmem>> -> memref<2048xf32, #tpu.memory_space<vmem>>
            %parallel_loop3A_155 = tpu.vector_load_idx %parallel_loop3A_154[%parallel_loop3A_147] : memref<2048xf32, #tpu.memory_space<vmem>>[vector<16xi32>], vector<16xf32>,
            %parallel_loop3A_156 = arith.subf %get3A_69, %parallel_loop3A_151 : vector<16xf32>
            %parallel_loop3A_157 = arith.subf %parallel_loop3A_156, %parallel_loop3A_155 : vector<16xf32>
            %parallel_loop3A_158 = arith.constant 16 : i32
            %parallel_loop3A_159 = arith.muli %parallel_loop3A_116, %parallel_loop3A_158 : i32
            %parallel_loop3A_160 = arith.index_cast %parallel_loop3A_120 : i32 to index
            %parallel_loop3A_161 = arith.index_cast %parallel_loop3A_159 : i32 to index
            %parallel_loop3A_162 = tpu.vector_load %arg10[%parallel_loop3A_160, %parallel_loop3A_161] {strides = array<i32>} : memref<32x512xf32, #tpu.memory_space<vmem>>, vector<16xf32>,
            %parallel_loop3A_163 = arith.addi %parallel_loop3A_146, %get3A_72 : vector<16xi32>
            %parallel_loop3A_164 = arith.mulf %parallel_loop3A_151, %parallel_loop3A_162 : vector<16xf32>
            tpu.vector_store_idx %arg15[%parallel_loop3A_163], %parallel_loop3A_164 {add = true} : memref<34560xf32, #tpu.memory_space<vmem>>[vector<16xi32>], vector<16xf32>,
            %parallel_loop3A_165 = arith.addi %parallel_loop3A_163, %broadcast_in_dim3A_20 : vector<16xi32>
            %parallel_loop3A_166 = arith.mulf %parallel_loop3A_157, %parallel_loop3A_162 : vector<16xf32>
            tpu.vector_store_idx %arg15[%parallel_loop3A_165], %parallel_loop3A_166 {add = true} : memref<34560xf32, #tpu.memory_space<vmem>>[vector<16xi32>], vector<16xf32>,
            %parallel_loop3A_167 = arith.addi %parallel_loop3A_163, %broadcast_in_dim3A_22 : vector<16xi32>
            %parallel_loop3A_168 = arith.mulf %parallel_loop3A_155, %parallel_loop3A_162 : vector<16xf32>
            tpu.vector_store_idx %arg15[%parallel_loop3A_167], %parallel_loop3A_168 {add = true} : memref<34560xf32, #tpu.memory_space<vmem>>[vector<16xi32>], vector<16xf32>,
            %parallel_loop3A_169 = arith.addf %parallel_loop3A_117, %mul3A_75 : vector<16xf32>
            %parallel_loop3A_170 = arith.addf %parallel_loop3A_118, %mul3A_75 : vector<16xf32>
            scf.yield %parallel_loop3A_169, %parallel_loop3A_170 : vector<16xf32>, vector<16xf32>
          } {sc.loop_unroll_factor = 8 : i64, sc.parallel_access}
        }
        %scan3A_99 = arith.constant 16 : i32
      } else {
      }
      %add3A_88 = arith.constant 1 : i32
      %add3A_89 = arith.addi %add3A_49, %add3A_88 : i32
      %lt3A_90 = arith.constant 45 : i32
      %lt3A_91 = arith.cmpi slt, %add3A_89, %lt3A_90 : i32
      %convert_element_type3A_92 = arith.extui %lt3A_91 : i1 to i32
      %cond3A_93 = arith.constant 0 : i32
      %cond3A_94 = arith.cmpi ne, %convert_element_type3A_92, %cond3A_93 : i32
      scf.if %cond3A_94 {
        %sub3A = arith.constant 1 : i32
        %sub3A_95 = arith.subi %sub3A, %rem3A_50 : i32
        %dma_wait3A = arith.constant 0 : i32
        %dma_wait3A_96 = tpu.memref_slice %arg14[%sub3A_95, %dma_wait3A] : memref<2x4096xf32, #tpu.memory_space<vmem>> -> memref<1x4096xf32, #tpu.memory_space<vmem>>
        %dma_wait3A_97 = tpu.memref_squeeze %dma_wait3A_96 : memref<1x4096xf32, #tpu.memory_space<vmem>> -> memref<4096xf32, #tpu.memory_space<vmem>>
        %dma_wait3A_98 = arith.constant 0 : i32
        %dma_wait3A_99 = tpu.memref_slice %arg7[%dma_wait3A_98] : memref<368640xf32, #tpu.memory_space<hbm>> -> memref<4096xf32, #tpu.memory_space<hbm>>
        %dma_wait3A_100 = arith.constant 0 : i32
        %dma_wait3A_101 = tpu.memref_slice %arg14[%sub3A_95, %dma_wait3A_100] : memref<2x4096xf32, #tpu.memory_space<vmem>> -> memref<1x4096xf32, #tpu.memory_space<vmem>>
        %dma_wait3A_102 = tpu.memref_squeeze %dma_wait3A_101 : memref<1x4096xf32, #tpu.memory_space<vmem>> -> memref<4096xf32, #tpu.memory_space<vmem>>
        %dma_wait3A_103 = arith.constant 0 : i32
        %dma_wait3A_104 = tpu.memref_slice %arg7[%dma_wait3A_103] : memref<368640xf32, #tpu.memory_space<hbm>> -> memref<4096xf32, #tpu.memory_space<hbm>>
        tpu.wait_dma2 semaphore(%arg19 : memref<!tpu.dma_semaphore, #tpu.memory_space<semaphore_mem>>) src(%dma_wait3A_104 : memref<4096xf32, #tpu.memory_space<hbm>>) dst(%dma_wait3A_102 : memref<4096xf32, #tpu.memory_space<vmem>>)
      } else {
      }
    }
    %scan3A_31 = arith.constant 45 : i32
    "tpu.region"() ({
      %run_scoped3A_45 = tpu.sem_alloc : memref<!tpu.dma_semaphore, #tpu.memory_space<semaphore_mem>>
      %dma_start3A = arith.constant 0 : i32
      %dma_start3A_46 = tpu.memref_slice %arg18[%arg1, %dma_start3A] : memref<16x34560xf32, #tpu.memory_space<vmem_shared>> -> memref<1x34560xf32, #tpu.memory_space<vmem_shared>>
      %dma_start3A_47 = tpu.memref_squeeze %dma_start3A_46 : memref<1x34560xf32, #tpu.memory_space<vmem_shared>> -> memref<34560xf32, #tpu.memory_space<vmem_shared>>
      %dma_start3A_48 = arith.constant 0 : i32
      %dma_start3A_49 = tpu.memref_slice %arg18[%arg1, %dma_start3A_48] : memref<16x34560xf32, #tpu.memory_space<vmem_shared>> -> memref<1x34560xf32, #tpu.memory_space<vmem_shared>>
      %dma_start3A_50 = tpu.memref_squeeze %dma_start3A_49 : memref<1x34560xf32, #tpu.memory_space<vmem_shared>> -> memref<34560xf32, #tpu.memory_space<vmem_shared>>
      tpu.enqueue_dma source(%arg15 : memref<34560xf32, #tpu.memory_space<vmem>>) target(%dma_start3A_50 : memref<34560xf32, #tpu.memory_space<vmem_shared>>) target_semaphore(%run_scoped3A_45 : memref<!tpu.dma_semaphore, #tpu.memory_space<semaphore_mem>>)
      %dma_wait3A = arith.constant 0 : i32
      %dma_wait3A_51 = tpu.memref_slice %arg18[%arg1, %dma_wait3A] : memref<16x34560xf32, #tpu.memory_space<vmem_shared>> -> memref<1x34560xf32, #tpu.memory_space<vmem_shared>>
      %dma_wait3A_52 = tpu.memref_squeeze %dma_wait3A_51 : memref<1x34560xf32, #tpu.memory_space<vmem_shared>> -> memref<34560xf32, #tpu.memory_space<vmem_shared>>
      %dma_wait3A_53 = arith.constant 0 : i32
      %dma_wait3A_54 = tpu.memref_slice %arg18[%arg1, %dma_wait3A_53] : memref<16x34560xf32, #tpu.memory_space<vmem_shared>> -> memref<1x34560xf32, #tpu.memory_space<vmem_shared>>
      %dma_wait3A_55 = tpu.memref_squeeze %dma_wait3A_54 : memref<1x34560xf32, #tpu.memory_space<vmem_shared>> -> memref<34560xf32, #tpu.memory_space<vmem_shared>>
      tpu.wait_dma2 semaphore(%run_scoped3A_45 : memref<!tpu.dma_semaphore, #tpu.memory_space<semaphore_mem>>) src(%arg15 : memref<34560xf32, #tpu.memory_space<vmem>>) dst(%dma_wait3A_55 : memref<34560xf32, #tpu.memory_space<vmem_shared>>)
      tpu.yield
    }) : () -> ()
    %barrier3A = arith.constant 0 : index
    tpu.barrier barrier_id(%barrier3A)
    %mul3A_32 = arith.constant 2160 : i32
    %mul3A_33 = arith.muli %arg1, %mul3A_32 : i32
    %run_scoped3A_34 = arith.constant 0 : i32
    "tpu.region"() ({
      %run_scoped3A_45 = tpu.sem_alloc : memref<!tpu.dma_semaphore, #tpu.memory_space<semaphore_mem>>
      %dma_start3A = tpu.memref_slice %arg18[%run_scoped3A_34, %mul3A_33] : memref<16x34560xf32, #tpu.memory_space<vmem_shared>> -> memref<1x2160xf32, #tpu.memory_space<vmem_shared>>
      %dma_start3A_46 = tpu.memref_squeeze %dma_start3A : memref<1x2160xf32, #tpu.memory_space<vmem_shared>> -> memref<2160xf32, #tpu.memory_space<vmem_shared>>
      %dma_start3A_47 = tpu.memref_slice %arg18[%run_scoped3A_34, %mul3A_33] : memref<16x34560xf32, #tpu.memory_space<vmem_shared>> -> memref<1x2160xf32, #tpu.memory_space<vmem_shared>>
      %dma_start3A_48 = tpu.memref_squeeze %dma_start3A_47 : memref<1x2160xf32, #tpu.memory_space<vmem_shared>> -> memref<2160xf32, #tpu.memory_space<vmem_shared>>
      tpu.enqueue_dma source(%dma_start3A_48 : memref<2160xf32, #tpu.memory_space<vmem_shared>>) target(%arg16 : memref<2160xf32, #tpu.memory_space<vmem>>) target_semaphore(%run_scoped3A_45 : memref<!tpu.dma_semaphore, #tpu.memory_space<semaphore_mem>>)
      %dma_wait3A = tpu.memref_slice %arg18[%run_scoped3A_34, %mul3A_33] : memref<16x34560xf32, #tpu.memory_space<vmem_shared>> -> memref<1x2160xf32, #tpu.memory_space<vmem_shared>>
      %dma_wait3A_49 = tpu.memref_squeeze %dma_wait3A : memref<1x2160xf32, #tpu.memory_space<vmem_shared>> -> memref<2160xf32, #tpu.memory_space<vmem_shared>>
      %dma_wait3A_50 = tpu.memref_slice %arg18[%run_scoped3A_34, %mul3A_33] : memref<16x34560xf32, #tpu.memory_space<vmem_shared>> -> memref<1x2160xf32, #tpu.memory_space<vmem_shared>>
      %dma_wait3A_51 = tpu.memref_squeeze %dma_wait3A_50 : memref<1x2160xf32, #tpu.memory_space<vmem_shared>> -> memref<2160xf32, #tpu.memory_space<vmem_shared>>
      tpu.wait_dma2 semaphore(%run_scoped3A_45 : memref<!tpu.dma_semaphore, #tpu.memory_space<semaphore_mem>>) src(%dma_wait3A_51 : memref<2160xf32, #tpu.memory_space<vmem_shared>>) dst(%arg16 : memref<2160xf32, #tpu.memory_space<vmem>>)
      tpu.yield
    }) : () -> ()
    %scan3A_35 = arith.constant 0 : i32
    %scan3A_36 = arith.constant 15 : i32
    %scan3A_37 = arith.addi %scan3A_35, %scan3A_36 : i32
    %scan3A_38 = arith.constant 1 : i32
    scf.for %scan3A_45 = %scan3A_35 to %scan3A_37 step %scan3A_38  : i32 {
      %mul3A_46 = arith.constant 1 : i32
      %mul3A_47 = arith.muli %scan3A_45, %mul3A_46 : i32
      %add3A_48 = arith.constant 1 : i32
      %add3A_49 = arith.addi %add3A_48, %mul3A_47 : i32
      %mul3A_50 = arith.constant 2160 : i32
      %mul3A_51 = arith.muli %arg1, %mul3A_50 : i32
      "tpu.region"() ({
        %run_scoped3A_188 = tpu.sem_alloc : memref<!tpu.dma_semaphore, #tpu.memory_space<semaphore_mem>>
        %dma_start3A = tpu.memref_slice %arg18[%add3A_49, %mul3A_51] : memref<16x34560xf32, #tpu.memory_space<vmem_shared>> -> memref<1x2160xf32, #tpu.memory_space<vmem_shared>>
        %dma_start3A_189 = tpu.memref_squeeze %dma_start3A : memref<1x2160xf32, #tpu.memory_space<vmem_shared>> -> memref<2160xf32, #tpu.memory_space<vmem_shared>>
        %dma_start3A_190 = tpu.memref_slice %arg18[%add3A_49, %mul3A_51] : memref<16x34560xf32, #tpu.memory_space<vmem_shared>> -> memref<1x2160xf32, #tpu.memory_space<vmem_shared>>
        %dma_start3A_191 = tpu.memref_squeeze %dma_start3A_190 : memref<1x2160xf32, #tpu.memory_space<vmem_shared>> -> memref<2160xf32, #tpu.memory_space<vmem_shared>>
        tpu.enqueue_dma source(%dma_start3A_191 : memref<2160xf32, #tpu.memory_space<vmem_shared>>) target(%arg17 : memref<2160xf32, #tpu.memory_space<vmem>>) target_semaphore(%run_scoped3A_188 : memref<!tpu.dma_semaphore, #tpu.memory_space<semaphore_mem>>)
        %dma_wait3A = tpu.memref_slice %arg18[%add3A_49, %mul3A_51] : memref<16x34560xf32, #tpu.memory_space<vmem_shared>> -> memref<1x2160xf32, #tpu.memory_space<vmem_shared>>
        %dma_wait3A_192 = tpu.memref_squeeze %dma_wait3A : memref<1x2160xf32, #tpu.memory_space<vmem_shared>> -> memref<2160xf32, #tpu.memory_space<vmem_shared>>
        %dma_wait3A_193 = tpu.memref_slice %arg18[%add3A_49, %mul3A_51] : memref<16x34560xf32, #tpu.memory_space<vmem_shared>> -> memref<1x2160xf32, #tpu.memory_space<vmem_shared>>
        %dma_wait3A_194 = tpu.memref_squeeze %dma_wait3A_193 : memref<1x2160xf32, #tpu.memory_space<vmem_shared>> -> memref<2160xf32, #tpu.memory_space<vmem_shared>>
        tpu.wait_dma2 semaphore(%run_scoped3A_188 : memref<!tpu.dma_semaphore, #tpu.memory_space<semaphore_mem>>) src(%dma_wait3A_194 : memref<2160xf32, #tpu.memory_space<vmem_shared>>) dst(%arg17 : memref<2160xf32, #tpu.memory_space<vmem>>)
        tpu.yield
      }) : () -> ()
      %scan3A_52 = arith.constant 0 : i32
      %scan3A_53 = arith.constant 128 : i32
      %scan3A_54 = arith.addi %scan3A_52, %scan3A_53 : i32
      %scan3A_55 = arith.constant 8 : i32
      scf.for %scan3A_188 = %scan3A_52 to %scan3A_54 step %scan3A_55  : i32 {
        %mul3A_189 = arith.constant 1 : i32
        %mul3A_190 = arith.muli %scan3A_188, %mul3A_189 : i32
        %add3A_191 = arith.constant 0 : i32
        %add3A_192 = arith.addi %add3A_191, %mul3A_190 : i32
        %mul3A_193 = arith.constant 16 : i32
        %mul3A_194 = arith.muli %add3A_192, %mul3A_193 : i32
        %get3A_195 = arith.index_cast %mul3A_194 : i32 to index
        %get3A_196 = tpu.vector_load %arg16[%get3A_195] {strides = array<i32>} : memref<2160xf32, #tpu.memory_space<vmem>>, vector<16xf32>,
        %mul3A_197 = arith.constant 16 : i32
        %mul3A_198 = arith.muli %add3A_192, %mul3A_197 : i32
        %get3A_199 = arith.index_cast %mul3A_198 : i32 to index
        %get3A_200 = tpu.vector_load %arg17[%get3A_199] {strides = array<i32>} : memref<2160xf32, #tpu.memory_space<vmem>>, vector<16xf32>,
        %add3A_201 = arith.addf %get3A_196, %get3A_200 : vector<16xf32>
        %mul3A_202 = arith.constant 16 : i32
        %mul3A_203 = arith.muli %add3A_192, %mul3A_202 : i32
        %swap3A_204 = arith.index_cast %mul3A_203 : i32 to index
        %swap3A_205 = tpu.vector_load %arg16[%swap3A_204] {strides = array<i32>} : memref<2160xf32, #tpu.memory_space<vmem>>, vector<16xf32>,
        tpu.vector_store %arg16[%swap3A_204], %add3A_201 {strides = array<i32>} : memref<2160xf32, #tpu.memory_space<vmem>>, vector<16xf32>,
        %scan3A_206 = arith.constant 1 : i32
        %scan3A_207 = arith.addi %scan3A_188, %scan3A_206 : i32
        %mul3A_208 = arith.constant 1 : i32
        %mul3A_209 = arith.muli %scan3A_207, %mul3A_208 : i32
        %add3A_210 = arith.constant 0 : i32
        %add3A_211 = arith.addi %add3A_210, %mul3A_209 : i32
        %mul3A_212 = arith.constant 16 : i32
        %mul3A_213 = arith.muli %add3A_211, %mul3A_212 : i32
        %get3A_214 = arith.index_cast %mul3A_213 : i32 to index
        %get3A_215 = tpu.vector_load %arg16[%get3A_214] {strides = array<i32>} : memref<2160xf32, #tpu.memory_space<vmem>>, vector<16xf32>,
        %mul3A_216 = arith.constant 16 : i32
        %mul3A_217 = arith.muli %add3A_211, %mul3A_216 : i32
        %get3A_218 = arith.index_cast %mul3A_217 : i32 to index
        %get3A_219 = tpu.vector_load %arg17[%get3A_218] {strides = array<i32>} : memref<2160xf32, #tpu.memory_space<vmem>>, vector<16xf32>,
        %add3A_220 = arith.addf %get3A_215, %get3A_219 : vector<16xf32>
        %mul3A_221 = arith.constant 16 : i32
        %mul3A_222 = arith.muli %add3A_211, %mul3A_221 : i32
        %swap3A_223 = arith.index_cast %mul3A_222 : i32 to index
        %swap3A_224 = tpu.vector_load %arg16[%swap3A_223] {strides = array<i32>} : memref<2160xf32, #tpu.memory_space<vmem>>, vector<16xf32>,
        tpu.vector_store %arg16[%swap3A_223], %add3A_220 {strides = array<i32>} : memref<2160xf32, #tpu.memory_space<vmem>>, vector<16xf32>,
        %scan3A_225 = arith.constant 2 : i32
        %scan3A_226 = arith.addi %scan3A_188, %scan3A_225 : i32
        %mul3A_227 = arith.constant 1 : i32
        %mul3A_228 = arith.muli %scan3A_226, %mul3A_227 : i32
        %add3A_229 = arith.constant 0 : i32
        %add3A_230 = arith.addi %add3A_229, %mul3A_228 : i32
        %mul3A_231 = arith.constant 16 : i32
        %mul3A_232 = arith.muli %add3A_230, %mul3A_231 : i32
        %get3A_233 = arith.index_cast %mul3A_232 : i32 to index
        %get3A_234 = tpu.vector_load %arg16[%get3A_233] {strides = array<i32>} : memref<2160xf32, #tpu.memory_space<vmem>>, vector<16xf32>,
        %mul3A_235 = arith.constant 16 : i32
        %mul3A_236 = arith.muli %add3A_230, %mul3A_235 : i32
        %get3A_237 = arith.index_cast %mul3A_236 : i32 to index
        %get3A_238 = tpu.vector_load %arg17[%get3A_237] {strides = array<i32>} : memref<2160xf32, #tpu.memory_space<vmem>>, vector<16xf32>,
        %add3A_239 = arith.addf %get3A_234, %get3A_238 : vector<16xf32>
        %mul3A_240 = arith.constant 16 : i32
        %mul3A_241 = arith.muli %add3A_230, %mul3A_240 : i32
        %swap3A_242 = arith.index_cast %mul3A_241 : i32 to index
        %swap3A_243 = tpu.vector_load %arg16[%swap3A_242] {strides = array<i32>} : memref<2160xf32, #tpu.memory_space<vmem>>, vector<16xf32>,
        tpu.vector_store %arg16[%swap3A_242], %add3A_239 {strides = array<i32>} : memref<2160xf32, #tpu.memory_space<vmem>>, vector<16xf32>,
        %scan3A_244 = arith.constant 3 : i32
        %scan3A_245 = arith.addi %scan3A_188, %scan3A_244 : i32
        %mul3A_246 = arith.constant 1 : i32
        %mul3A_247 = arith.muli %scan3A_245, %mul3A_246 : i32
        %add3A_248 = arith.constant 0 : i32
        %add3A_249 = arith.addi %add3A_248, %mul3A_247 : i32
        %mul3A_250 = arith.constant 16 : i32
        %mul3A_251 = arith.muli %add3A_249, %mul3A_250 : i32
        %get3A_252 = arith.index_cast %mul3A_251 : i32 to index
        %get3A_253 = tpu.vector_load %arg16[%get3A_252] {strides = array<i32>} : memref<2160xf32, #tpu.memory_space<vmem>>, vector<16xf32>,
        %mul3A_254 = arith.constant 16 : i32
        %mul3A_255 = arith.muli %add3A_249, %mul3A_254 : i32
        %get3A_256 = arith.index_cast %mul3A_255 : i32 to index
        %get3A_257 = tpu.vector_load %arg17[%get3A_256] {strides = array<i32>} : memref<2160xf32, #tpu.memory_space<vmem>>, vector<16xf32>,
        %add3A_258 = arith.addf %get3A_253, %get3A_257 : vector<16xf32>
        %mul3A_259 = arith.constant 16 : i32
        %mul3A_260 = arith.muli %add3A_249, %mul3A_259 : i32
        %swap3A_261 = arith.index_cast %mul3A_260 : i32 to index
        %swap3A_262 = tpu.vector_load %arg16[%swap3A_261] {strides = array<i32>} : memref<2160xf32, #tpu.memory_space<vmem>>, vector<16xf32>,
        tpu.vector_store %arg16[%swap3A_261], %add3A_258 {strides = array<i32>} : memref<2160xf32, #tpu.memory_space<vmem>>, vector<16xf32>,
        %scan3A_263 = arith.constant 4 : i32
        %scan3A_264 = arith.addi %scan3A_188, %scan3A_263 : i32
        %mul3A_265 = arith.constant 1 : i32
        %mul3A_266 = arith.muli %scan3A_264, %mul3A_265 : i32
        %add3A_267 = arith.constant 0 : i32
        %add3A_268 = arith.addi %add3A_267, %mul3A_266 : i32
        %mul3A_269 = arith.constant 16 : i32
        %mul3A_270 = arith.muli %add3A_268, %mul3A_269 : i32
        %get3A_271 = arith.index_cast %mul3A_270 : i32 to index
        %get3A_272 = tpu.vector_load %arg16[%get3A_271] {strides = array<i32>} : memref<2160xf32, #tpu.memory_space<vmem>>, vector<16xf32>,
        %mul3A_273 = arith.constant 16 : i32
        %mul3A_274 = arith.muli %add3A_268, %mul3A_273 : i32
        %get3A_275 = arith.index_cast %mul3A_274 : i32 to index
        %get3A_276 = tpu.vector_load %arg17[%get3A_275] {strides = array<i32>} : memref<2160xf32, #tpu.memory_space<vmem>>, vector<16xf32>,
        %add3A_277 = arith.addf %get3A_272, %get3A_276 : vector<16xf32>
        %mul3A_278 = arith.constant 16 : i32
        %mul3A_279 = arith.muli %add3A_268, %mul3A_278 : i32
        %swap3A_280 = arith.index_cast %mul3A_279 : i32 to index
        %swap3A_281 = tpu.vector_load %arg16[%swap3A_280] {strides = array<i32>} : memref<2160xf32, #tpu.memory_space<vmem>>, vector<16xf32>,
        tpu.vector_store %arg16[%swap3A_280], %add3A_277 {strides = array<i32>} : memref<2160xf32, #tpu.memory_space<vmem>>, vector<16xf32>,
        %scan3A_282 = arith.constant 5 : i32
        %scan3A_283 = arith.addi %scan3A_188, %scan3A_282 : i32
        %mul3A_284 = arith.constant 1 : i32
        %mul3A_285 = arith.muli %scan3A_283, %mul3A_284 : i32
        %add3A_286 = arith.constant 0 : i32
        %add3A_287 = arith.addi %add3A_286, %mul3A_285 : i32
        %mul3A_288 = arith.constant 16 : i32
        %mul3A_289 = arith.muli %add3A_287, %mul3A_288 : i32
        %get3A_290 = arith.index_cast %mul3A_289 : i32 to index
        %get3A_291 = tpu.vector_load %arg16[%get3A_290] {strides = array<i32>} : memref<2160xf32, #tpu.memory_space<vmem>>, vector<16xf32>,
        %mul3A_292 = arith.constant 16 : i32
        %mul3A_293 = arith.muli %add3A_287, %mul3A_292 : i32
        %get3A_294 = arith.index_cast %mul3A_293 : i32 to index
        %get3A_295 = tpu.vector_load %arg17[%get3A_294] {strides = array<i32>} : memref<2160xf32, #tpu.memory_space<vmem>>, vector<16xf32>,
        %add3A_296 = arith.addf %get3A_291, %get3A_295 : vector<16xf32>
        %mul3A_297 = arith.constant 16 : i32
        %mul3A_298 = arith.muli %add3A_287, %mul3A_297 : i32
        %swap3A_299 = arith.index_cast %mul3A_298 : i32 to index
        %swap3A_300 = tpu.vector_load %arg16[%swap3A_299] {strides = array<i32>} : memref<2160xf32, #tpu.memory_space<vmem>>, vector<16xf32>,
        tpu.vector_store %arg16[%swap3A_299], %add3A_296 {strides = array<i32>} : memref<2160xf32, #tpu.memory_space<vmem>>, vector<16xf32>,
        %scan3A_301 = arith.constant 6 : i32
        %scan3A_302 = arith.addi %scan3A_188, %scan3A_301 : i32
        %mul3A_303 = arith.constant 1 : i32
        %mul3A_304 = arith.muli %scan3A_302, %mul3A_303 : i32
        %add3A_305 = arith.constant 0 : i32
        %add3A_306 = arith.addi %add3A_305, %mul3A_304 : i32
        %mul3A_307 = arith.constant 16 : i32
        %mul3A_308 = arith.muli %add3A_306, %mul3A_307 : i32
        %get3A_309 = arith.index_cast %mul3A_308 : i32 to index
        %get3A_310 = tpu.vector_load %arg16[%get3A_309] {strides = array<i32>} : memref<2160xf32, #tpu.memory_space<vmem>>, vector<16xf32>,
        %mul3A_311 = arith.constant 16 : i32
        %mul3A_312 = arith.muli %add3A_306, %mul3A_311 : i32
        %get3A_313 = arith.index_cast %mul3A_312 : i32 to index
        %get3A_314 = tpu.vector_load %arg17[%get3A_313] {strides = array<i32>} : memref<2160xf32, #tpu.memory_space<vmem>>, vector<16xf32>,
        %add3A_315 = arith.addf %get3A_310, %get3A_314 : vector<16xf32>
        %mul3A_316 = arith.constant 16 : i32
        %mul3A_317 = arith.muli %add3A_306, %mul3A_316 : i32
        %swap3A_318 = arith.index_cast %mul3A_317 : i32 to index
        %swap3A_319 = tpu.vector_load %arg16[%swap3A_318] {strides = array<i32>} : memref<2160xf32, #tpu.memory_space<vmem>>, vector<16xf32>,
        tpu.vector_store %arg16[%swap3A_318], %add3A_315 {strides = array<i32>} : memref<2160xf32, #tpu.memory_space<vmem>>, vector<16xf32>,
        %scan3A_320 = arith.constant 7 : i32
        %scan3A_321 = arith.addi %scan3A_188, %scan3A_320 : i32
        %mul3A_322 = arith.constant 1 : i32
        %mul3A_323 = arith.muli %scan3A_321, %mul3A_322 : i32
        %add3A_324 = arith.constant 0 : i32
        %add3A_325 = arith.addi %add3A_324, %mul3A_323 : i32
        %mul3A_326 = arith.constant 16 : i32
        %mul3A_327 = arith.muli %add3A_325, %mul3A_326 : i32
        %get3A_328 = arith.index_cast %mul3A_327 : i32 to index
        %get3A_329 = tpu.vector_load %arg16[%get3A_328] {strides = array<i32>} : memref<2160xf32, #tpu.memory_space<vmem>>, vector<16xf32>,
        %mul3A_330 = arith.constant 16 : i32
        %mul3A_331 = arith.muli %add3A_325, %mul3A_330 : i32
        %get3A_332 = arith.index_cast %mul3A_331 : i32 to index
        %get3A_333 = tpu.vector_load %arg17[%get3A_332] {strides = array<i32>} : memref<2160xf32, #tpu.memory_space<vmem>>, vector<16xf32>,
        %add3A_334 = arith.addf %get3A_329, %get3A_333 : vector<16xf32>
        %mul3A_335 = arith.constant 16 : i32
        %mul3A_336 = arith.muli %add3A_325, %mul3A_335 : i32
        %swap3A_337 = arith.index_cast %mul3A_336 : i32 to index
        %swap3A_338 = tpu.vector_load %arg16[%swap3A_337] {strides = array<i32>} : memref<2160xf32, #tpu.memory_space<vmem>>, vector<16xf32>,
        tpu.vector_store %arg16[%swap3A_337], %add3A_334 {strides = array<i32>} : memref<2160xf32, #tpu.memory_space<vmem>>, vector<16xf32>,
      }
      %scan3A_56 = arith.constant 128 : i32
      %scan3A_57 = arith.addi %scan3A_52, %scan3A_56 : i32
      %mul3A_58 = arith.constant 1 : i32
      %mul3A_59 = arith.muli %scan3A_57, %mul3A_58 : i32
      %add3A_60 = arith.constant 0 : i32
      %add3A_61 = arith.addi %add3A_60, %mul3A_59 : i32
      %mul3A_62 = arith.constant 16 : i32
      %mul3A_63 = arith.muli %add3A_61, %mul3A_62 : i32
      %get3A = arith.index_cast %mul3A_63 : i32 to index
      %get3A_64 = tpu.vector_load %arg16[%get3A] {strides = array<i32>} : memref<2160xf32, #tpu.memory_space<vmem>>, vector<16xf32>,
      %mul3A_65 = arith.constant 16 : i32
      %mul3A_66 = arith.muli %add3A_61, %mul3A_65 : i32
      %get3A_67 = arith.index_cast %mul3A_66 : i32 to index
      %get3A_68 = tpu.vector_load %arg17[%get3A_67] {strides = array<i32>} : memref<2160xf32, #tpu.memory_space<vmem>>, vector<16xf32>,
      %add3A_69 = arith.addf %get3A_64, %get3A_68 : vector<16xf32>
      %mul3A_70 = arith.constant 16 : i32
      %mul3A_71 = arith.muli %add3A_61, %mul3A_70 : i32
      %swap3A = arith.index_cast %mul3A_71 : i32 to index
      %swap3A_72 = tpu.vector_load %arg16[%swap3A] {strides = array<i32>} : memref<2160xf32, #tpu.memory_space<vmem>>, vector<16xf32>,
      tpu.vector_store %arg16[%swap3A], %add3A_69 {strides = array<i32>} : memref<2160xf32, #tpu.memory_space<vmem>>, vector<16xf32>,
      %scan3A_73 = arith.constant 129 : i32
      %scan3A_74 = arith.addi %scan3A_52, %scan3A_73 : i32
      %mul3A_75 = arith.constant 1 : i32
      %mul3A_76 = arith.muli %scan3A_74, %mul3A_75 : i32
      %add3A_77 = arith.constant 0 : i32
      %add3A_78 = arith.addi %add3A_77, %mul3A_76 : i32
      %mul3A_79 = arith.constant 16 : i32
      %mul3A_80 = arith.muli %add3A_78, %mul3A_79 : i32
      %get3A_81 = arith.index_cast %mul3A_80 : i32 to index
      %get3A_82 = tpu.vector_load %arg16[%get3A_81] {strides = array<i32>} : memref<2160xf32, #tpu.memory_space<vmem>>, vector<16xf32>,
      %mul3A_83 = arith.constant 16 : i32
      %mul3A_84 = arith.muli %add3A_78, %mul3A_83 : i32
      %get3A_85 = arith.index_cast %mul3A_84 : i32 to index
      %get3A_86 = tpu.vector_load %arg17[%get3A_85] {strides = array<i32>} : memref<2160xf32, #tpu.memory_space<vmem>>, vector<16xf32>,
      %add3A_87 = arith.addf %get3A_82, %get3A_86 : vector<16xf32>
      %mul3A_88 = arith.constant 16 : i32
      %mul3A_89 = arith.muli %add3A_78, %mul3A_88 : i32
      %swap3A_90 = arith.index_cast %mul3A_89 : i32 to index
      %swap3A_91 = tpu.vector_load %arg16[%swap3A_90] {strides = array<i32>} : memref<2160xf32, #tpu.memory_space<vmem>>, vector<16xf32>,
      tpu.vector_store %arg16[%swap3A_90], %add3A_87 {strides = array<i32>} : memref<2160xf32, #tpu.memory_space<vmem>>, vector<16xf32>,
      %scan3A_92 = arith.constant 130 : i32
      %scan3A_93 = arith.addi %scan3A_52, %scan3A_92 : i32
      %mul3A_94 = arith.constant 1 : i32
      %mul3A_95 = arith.muli %scan3A_93, %mul3A_94 : i32
      %add3A_96 = arith.constant 0 : i32
      %add3A_97 = arith.addi %add3A_96, %mul3A_95 : i32
      %mul3A_98 = arith.constant 16 : i32
      %mul3A_99 = arith.muli %add3A_97, %mul3A_98 : i32
      %get3A_100 = arith.index_cast %mul3A_99 : i32 to index
      %get3A_101 = tpu.vector_load %arg16[%get3A_100] {strides = array<i32>} : memref<2160xf32, #tpu.memory_space<vmem>>, vector<16xf32>,
      %mul3A_102 = arith.constant 16 : i32
      %mul3A_103 = arith.muli %add3A_97, %mul3A_102 : i32
      %get3A_104 = arith.index_cast %mul3A_103 : i32 to index
      %get3A_105 = tpu.vector_load %arg17[%get3A_104] {strides = array<i32>} : memref<2160xf32, #tpu.memory_space<vmem>>, vector<16xf32>,
      %add3A_106 = arith.addf %get3A_101, %get3A_105 : vector<16xf32>
      %mul3A_107 = arith.constant 16 : i32
      %mul3A_108 = arith.muli %add3A_97, %mul3A_107 : i32
      %swap3A_109 = arith.index_cast %mul3A_108 : i32 to index
      %swap3A_110 = tpu.vector_load %arg16[%swap3A_109] {strides = array<i32>} : memref<2160xf32, #tpu.memory_space<vmem>>, vector<16xf32>,
      tpu.vector_store %arg16[%swap3A_109], %add3A_106 {strides = array<i32>} : memref<2160xf32, #tpu.memory_space<vmem>>, vector<16xf32>,
      %scan3A_111 = arith.constant 131 : i32
      %scan3A_112 = arith.addi %scan3A_52, %scan3A_111 : i32
      %mul3A_113 = arith.constant 1 : i32
      %mul3A_114 = arith.muli %scan3A_112, %mul3A_113 : i32
      %add3A_115 = arith.constant 0 : i32
      %add3A_116 = arith.addi %add3A_115, %mul3A_114 : i32
      %mul3A_117 = arith.constant 16 : i32
      %mul3A_118 = arith.muli %add3A_116, %mul3A_117 : i32
      %get3A_119 = arith.index_cast %mul3A_118 : i32 to index
      %get3A_120 = tpu.vector_load %arg16[%get3A_119] {strides = array<i32>} : memref<2160xf32, #tpu.memory_space<vmem>>, vector<16xf32>,
      %mul3A_121 = arith.constant 16 : i32
      %mul3A_122 = arith.muli %add3A_116, %mul3A_121 : i32
      %get3A_123 = arith.index_cast %mul3A_122 : i32 to index
      %get3A_124 = tpu.vector_load %arg17[%get3A_123] {strides = array<i32>} : memref<2160xf32, #tpu.memory_space<vmem>>, vector<16xf32>,
      %add3A_125 = arith.addf %get3A_120, %get3A_124 : vector<16xf32>
      %mul3A_126 = arith.constant 16 : i32
      %mul3A_127 = arith.muli %add3A_116, %mul3A_126 : i32
      %swap3A_128 = arith.index_cast %mul3A_127 : i32 to index
      %swap3A_129 = tpu.vector_load %arg16[%swap3A_128] {strides = array<i32>} : memref<2160xf32, #tpu.memory_space<vmem>>, vector<16xf32>,
      tpu.vector_store %arg16[%swap3A_128], %add3A_125 {strides = array<i32>} : memref<2160xf32, #tpu.memory_space<vmem>>, vector<16xf32>,
      %scan3A_130 = arith.constant 132 : i32
      %scan3A_131 = arith.addi %scan3A_52, %scan3A_130 : i32
      %mul3A_132 = arith.constant 1 : i32
      %mul3A_133 = arith.muli %scan3A_131, %mul3A_132 : i32
      %add3A_134 = arith.constant 0 : i32
      %add3A_135 = arith.addi %add3A_134, %mul3A_133 : i32
      %mul3A_136 = arith.constant 16 : i32
      %mul3A_137 = arith.muli %add3A_135, %mul3A_136 : i32
      %get3A_138 = arith.index_cast %mul3A_137 : i32 to index
      %get3A_139 = tpu.vector_load %arg16[%get3A_138] {strides = array<i32>} : memref<2160xf32, #tpu.memory_space<vmem>>, vector<16xf32>,
      %mul3A_140 = arith.constant 16 : i32
      %mul3A_141 = arith.muli %add3A_135, %mul3A_140 : i32
      %get3A_142 = arith.index_cast %mul3A_141 : i32 to index
      %get3A_143 = tpu.vector_load %arg17[%get3A_142] {strides = array<i32>} : memref<2160xf32, #tpu.memory_space<vmem>>, vector<16xf32>,
      %add3A_144 = arith.addf %get3A_139, %get3A_143 : vector<16xf32>
      %mul3A_145 = arith.constant 16 : i32
      %mul3A_146 = arith.muli %add3A_135, %mul3A_145 : i32
      %swap3A_147 = arith.index_cast %mul3A_146 : i32 to index
      %swap3A_148 = tpu.vector_load %arg16[%swap3A_147] {strides = array<i32>} : memref<2160xf32, #tpu.memory_space<vmem>>, vector<16xf32>,
      tpu.vector_store %arg16[%swap3A_147], %add3A_144 {strides = array<i32>} : memref<2160xf32, #tpu.memory_space<vmem>>, vector<16xf32>,
      %scan3A_149 = arith.constant 133 : i32
      %scan3A_150 = arith.addi %scan3A_52, %scan3A_149 : i32
      %mul3A_151 = arith.constant 1 : i32
      %mul3A_152 = arith.muli %scan3A_150, %mul3A_151 : i32
      %add3A_153 = arith.constant 0 : i32
      %add3A_154 = arith.addi %add3A_153, %mul3A_152 : i32
      %mul3A_155 = arith.constant 16 : i32
      %mul3A_156 = arith.muli %add3A_154, %mul3A_155 : i32
      %get3A_157 = arith.index_cast %mul3A_156 : i32 to index
      %get3A_158 = tpu.vector_load %arg16[%get3A_157] {strides = array<i32>} : memref<2160xf32, #tpu.memory_space<vmem>>, vector<16xf32>,
      %mul3A_159 = arith.constant 16 : i32
      %mul3A_160 = arith.muli %add3A_154, %mul3A_159 : i32
      %get3A_161 = arith.index_cast %mul3A_160 : i32 to index
      %get3A_162 = tpu.vector_load %arg17[%get3A_161] {strides = array<i32>} : memref<2160xf32, #tpu.memory_space<vmem>>, vector<16xf32>,
      %add3A_163 = arith.addf %get3A_158, %get3A_162 : vector<16xf32>
      %mul3A_164 = arith.constant 16 : i32
      %mul3A_165 = arith.muli %add3A_154, %mul3A_164 : i32
      %swap3A_166 = arith.index_cast %mul3A_165 : i32 to index
      %swap3A_167 = tpu.vector_load %arg16[%swap3A_166] {strides = array<i32>} : memref<2160xf32, #tpu.memory_space<vmem>>, vector<16xf32>,
      tpu.vector_store %arg16[%swap3A_166], %add3A_163 {strides = array<i32>} : memref<2160xf32, #tpu.memory_space<vmem>>, vector<16xf32>,
      %scan3A_168 = arith.constant 134 : i32
      %scan3A_169 = arith.addi %scan3A_52, %scan3A_168 : i32
      %mul3A_170 = arith.constant 1 : i32
      %mul3A_171 = arith.muli %scan3A_169, %mul3A_170 : i32
      %add3A_172 = arith.constant 0 : i32
      %add3A_173 = arith.addi %add3A_172, %mul3A_171 : i32
      %mul3A_174 = arith.constant 16 : i32
      %mul3A_175 = arith.muli %add3A_173, %mul3A_174 : i32
      %get3A_176 = arith.index_cast %mul3A_175 : i32 to index
      %get3A_177 = tpu.vector_load %arg16[%get3A_176] {strides = array<i32>} : memref<2160xf32, #tpu.memory_space<vmem>>, vector<16xf32>,
      %mul3A_178 = arith.constant 16 : i32
      %mul3A_179 = arith.muli %add3A_173, %mul3A_178 : i32
      %get3A_180 = arith.index_cast %mul3A_179 : i32 to index
      %get3A_181 = tpu.vector_load %arg17[%get3A_180] {strides = array<i32>} : memref<2160xf32, #tpu.memory_space<vmem>>, vector<16xf32>,
      %add3A_182 = arith.addf %get3A_177, %get3A_181 : vector<16xf32>
      %mul3A_183 = arith.constant 16 : i32
      %mul3A_184 = arith.muli %add3A_173, %mul3A_183 : i32
      %swap3A_185 = arith.index_cast %mul3A_184 : i32 to index
      %swap3A_186 = tpu.vector_load %arg16[%swap3A_185] {strides = array<i32>} : memref<2160xf32, #tpu.memory_space<vmem>>, vector<16xf32>,
      tpu.vector_store %arg16[%swap3A_185], %add3A_182 {strides = array<i32>} : memref<2160xf32, #tpu.memory_space<vmem>>, vector<16xf32>,
      %scan3A_187 = arith.constant 135 : i32
    }
    %scan3A_39 = arith.constant 15 : i32
    %mul3A_40 = arith.constant 34560 : i32
    %mul3A_41 = arith.muli %arg0, %mul3A_40 : i32
    %mul3A_42 = arith.constant 2160 : i32
    %mul3A_43 = arith.muli %arg1, %mul3A_42 : i32
    %add3A_44 = arith.addi %mul3A_41, %mul3A_43 : i32
    "tpu.region"() ({
      %run_scoped3A_45 = tpu.sem_alloc : memref<!tpu.dma_semaphore, #tpu.memory_space<semaphore_mem>>
      %dma_start3A = tpu.memref_slice %arg8[%add3A_44] : memref<69120xf32, #tpu.memory_space<hbm>> -> memref<2160xf32, #tpu.memory_space<hbm>>
      %dma_start3A_46 = tpu.memref_slice %arg8[%add3A_44] : memref<69120xf32, #tpu.memory_space<hbm>> -> memref<2160xf32, #tpu.memory_space<hbm>>
      tpu.enqueue_dma source(%arg16 : memref<2160xf32, #tpu.memory_space<vmem>>) target(%dma_start3A_46 : memref<2160xf32, #tpu.memory_space<hbm>>) target_semaphore(%run_scoped3A_45 : memref<!tpu.dma_semaphore, #tpu.memory_space<semaphore_mem>>)
      %dma_wait3A = tpu.memref_slice %arg8[%add3A_44] : memref<69120xf32, #tpu.memory_space<hbm>> -> memref<2160xf32, #tpu.memory_space<hbm>>
      %dma_wait3A_47 = tpu.memref_slice %arg8[%add3A_44] : memref<69120xf32, #tpu.memory_space<hbm>> -> memref<2160xf32, #tpu.memory_space<hbm>>
      tpu.wait_dma2 semaphore(%run_scoped3A_45 : memref<!tpu.dma_semaphore, #tpu.memory_space<semaphore_mem>>) src(%arg16 : memref<2160xf32, #tpu.memory_space<vmem>>) dst(%dma_wait3A_47 : memref<2160xf32, #tpu.memory_space<hbm>>)
      tpu.yield
    }) : () -> ()
    return
  }
}

</mosaic_0001>

<sc_bundles>
// kernel: kernel.3.cloned.1.call-start
scs
__scs_entry_jumppad:
0x0: {  	(pc) =	sbr.rel $0x88, $3  }
0x1: {  	(tag) =	ssettag $0x0;
	lr =	simm.s32 $0x1  }
0x2: {  	[smem:$0x3FA0] =	sst lr;
	_ =	strace $0xD0000000  }
0x3: {  	_ = 	snop  }
0x4: {  	_ = 	snop  }
0x5: {  	_ = 	snop  }
0x6: {  	_ = 	snop  }
0x7: {  	_ = 	snop  }
__scs_overlays_trampoline_lowered:
0x8: {  	[smem:$0x3FAF] =	sst s0  }
0x9: {  	[smem:$0x3FB0] =	sst s1  }
0xa: {  	[smem:$0x3FB1] =	sst s2  }
0xb: {  	[smem:$0x3FB2] =	sst s3  }
0xc: {  	[smem:$0x3FB3] =	sst s4  }
0xd: {  	[smem:$0x3FB4] =	sst s5  }
0xe: {  	[smem:$0x3FB5] =	sst s6  }
0xf: {  	[smem:$0x3FB6] =	sst s7  }
0x10: {  	[smem:$0x3FB7] =	sst s8  }
0x11: {  	[smem:$0x3FB8] =	sst s9;
	s0 =	simm.s32 @!p0 $0x0  }
0x12: {  	s1 =	sld [smem:$0x3F9E];
	s0 =	simm.s32 @p0 $0x1  }
0x13: {  	[smem:$0x3FB9] =	sst s0;
	s0 =	simm.s32 @!p1 $0x0  }
0x14: {  	s2 =	sld [smem:$0x3F9D];
	s0 =	simm.s32 @p1 $0x1  }
0x15: {  	[smem:$0x3FBA] =	sst s0;
	s0 =	simm.s32 @!p2 $0x0  }
0x16: {  	s3 =	sld [smem:$0x3FDB];
	s0 =	simm.s32 @p2 $0x1  }
0x17: {  	s4 =	simm.s32 $0x1BF5;
	[smem:$0x3FBC] =	sst s0  }
0x18: {  	s0 =	sld [smem:$0x3F9F];
	_ =	swait.ge [sflag:s4], $0x0  }
0x19: {  	s7 =	sld [smem:$0x3FA0]  }
0x1a: {  	s8 =	sadd.s32 $0xFFFFE003, lr  }
0x1b: {  	s9 =	sadd.s32 $0xFFFFFEF7, lr;
	s5 =	simm.s32 $0xFFFFFFFF;
	p2 =	slt.u32 s8, $0xFFFFF086  }
0x1c: {  	p1 =	slt.u32 s9, $0xF7A;
	s5 =	simm.s32 @!p2 $0x0  }
0x1d: {  	s5 =	simm.s32 @p1 $0x1;
	p0 =	seq.s32 s7, s2  }
0x1e: {  	s7 =	smul.u32 @!p0 $0xF7A, s2;
	p2 =	seq.s32 @!p0 s5, $0x0  }
0x1f: {  	s9 =	smul.u32 $0xF7A, s1;
	s8 =	simm.s32 @!p0 $0x1BF5;
	p2 =	por !p2, p0  }
0x20: {  	[sflag:s8] =	ssyncset.s32 @!p0 $0xFFFFF086;
	s6 =	sadd.s32 @!p0 s3, s7;
	s7 =	simm.s32 @!p0 $0x108  }
0x21: {  	s3 =	sadd.s32 s3, s9;
	s6 =	sadd.s32 @!p0 $0x88, s6;
	s7 =	simm.s32 @p2 $0x1082  }
0x22: {  	[simem:s7], [sflag:s8] =	dma.local @!p0 [hbm:s6], $0xF7A  }
0x23: {  	s9 =	sor.u32 $0xD0000000, s2;
	s6 =	simm.s32 $0x108;
	_ =	swait.ge @!p0 [sflag:s8], $0x0  }
0x24: {  	s3 =	sadd.s32 $0x88, s3;
	s6 =	simm.s32 @!p1 $0x1082;
	[sflag:s4] =	ssyncset.s32 $0xFFFFF086  }
0x25: {  	[simem:s6], [sflag:s4] =	dma.local [hbm:s3], $0xF7A  }
0x26: {  	[smem:$0x3FA0] =	sst s1;
	(tag) =	ssettag s2;
	_ =	strace s9  }
0x27: {  	s1 =	sld [smem:$0x3FB0]  }
0x28: {  	s2 =	sld [smem:$0x3FB1]  }
0x29: {  	s4 =	sld [smem:$0x3FB3]  }
0x2a: {  	p0 =	seq.s32 s5, $0x0;
	s5 =	sld [smem:$0x3FB4]  }
0x2b: {  	s6 =	sld [smem:$0x3FB5]  }
0x2c: {  	s7 =	sld [smem:$0x3FB6]  }
0x2d: {  	s3 =	simm.s32 $0x108;
	s8 =	sld [smem:$0x3FB7]  }
0x2e: {  	s3 =	simm.s32 @!p0 $0x1082;
	s9 =	sld [smem:$0x3FB8]  }
0x2f: {  	lr =	sadd.s32 s0, s3;
	s0 =	sld [smem:$0x3FAF]  }
0x30: {  	s3 =	sld [smem:$0x3FB2]  }
0x31: {  	[smem:$0x3FBB] =	sst s10  }
0x32: {  	s10 =	sld [smem:$0x3FB9];
	_ =	sdelay $0x3  }
0x33: {  	p0 =	seq.s32 s10, $0x1;
	s10 =	sld [smem:$0x3FBB];
	_ =	sdelay $0x3  }
0x34: {  	[smem:$0x3FBB] =	sst s10  }
0x35: {  	s10 =	sld [smem:$0x3FBA];
	_ =	sdelay $0x3  }
0x36: {  	p1 =	seq.s32 s10, $0x1;
	s10 =	sld [smem:$0x3FBB];
	_ =	sdelay $0x3  }
0x37: {  	[smem:$0x3FBB] =	sst s10  }
0x38: {  	s10 =	sld [smem:$0x3FBC]  }
0x39: {  	_ = 	snop;
	(pc) =	sbr.ind lr, $3  }
0x3a: {  	_ = 	snop  }
0x3b: {  	_ = 	snop  }
0x3c: {  	p2 =	seq.s32 s10, $0x1;
	s10 =	sld [smem:$0x3FBB]  }
0x3d: {  	_ =	shalt  }
0x3e: {  	_ =	shalt  }
0x3f: {  	_ =	shalt  }
0x40: {  	_ =	shalt  }
0x41: {  	_ =	shalt  }
0x42: {  	_ =	shalt  }
0x43: {  	_ =	shalt  }
0x44: {  	_ =	shalt  }
0x45: {  	_ =	shalt  }
0x46: {  	_ =	shalt  }
0x47: {  	_ =	shalt  }
0x48: {  	_ =	shalt  }
0x49: {  	_ =	shalt  }
0x4a: {  	_ =	shalt  }
0x4b: {  	_ =	shalt  }
0x4c: {  	_ =	shalt  }
0x4d: {  	_ =	shalt  }
0x4e: {  	_ =	shalt  }
0x4f: {  	_ =	shalt  }
0x50: {  	_ =	shalt  }
0x51: {  	_ =	shalt  }
0x52: {  	_ =	shalt  }
0x53: {  	_ =	shalt  }
0x54: {  	_ =	shalt  }
0x55: {  	_ =	shalt  }
0x56: {  	_ =	shalt  }
0x57: {  	_ =	shalt  }
0x58: {  	_ =	shalt  }
0x59: {  	_ =	shalt  }
0x5a: {  	_ =	shalt  }
0x5b: {  	_ =	shalt  }
0x5c: {  	_ =	shalt  }
0x5d: {  	_ =	shalt  }
0x5e: {  	_ =	shalt  }
0x5f: {  	_ =	shalt  }
0x60: {  	_ =	shalt  }
0x61: {  	_ =	shalt  }
0x62: {  	_ =	shalt  }
0x63: {  	_ =	shalt  }
0x64: {  	_ =	shalt  }
0x65: {  	_ =	shalt  }
0x66: {  	_ =	shalt  }
0x67: {  	_ =	shalt  }
0x68: {  	_ =	shalt  }
0x69: {  	_ =	shalt  }
0x6a: {  	_ =	shalt  }
0x6b: {  	_ =	shalt  }
0x6c: {  	_ =	shalt  }
0x6d: {  	_ =	shalt  }
0x6e: {  	_ =	shalt  }
0x6f: {  	_ =	shalt  }
0x70: {  	_ =	shalt  }
0x71: {  	_ =	shalt  }
0x72: {  	_ =	shalt  }
0x73: {  	_ =	shalt  }
0x74: {  	_ =	shalt  }
0x75: {  	_ =	shalt  }
0x76: {  	_ =	shalt  }
0x77: {  	_ =	shalt  }
0x78: {  	_ =	shalt  }
0x79: {  	_ =	shalt  }
0x7a: {  	_ =	shalt  }
0x7b: {  	_ =	shalt  }
0x7c: {  	_ =	shalt  }
0x7d: {  	_ =	shalt  }
0x7e: {  	_ =	shalt  }
0x7f: {  	_ =	shalt  }
0x80: {  	_ =	shalt  }
0x81: {  	_ =	shalt  }
0x82: {  	_ =	shalt  }
0x83: {  	_ =	shalt  }
0x84: {  	_ =	shalt  }
0x85: {  	_ =	shalt  }
0x86: {  	_ =	shalt  }
0x87: {  	_ =	shalt  }
.Lfunc_end0:
.L_simem_size_0:
called_computation_lowered:
.L_overlay_start_0:
0x88: {  	s2 =	sld [smem:$0x3FD9]  }
0x89: {  	s3 =	sld [smem:$0x3FFE];
	_ =	sdelay $0x1  }
0x8a: {  	s1 =	srdreg.scid  }
0x8b: {  	s0 =	sand.u32 $0x1, s1  }
0x8c: {  	s17 =	sshll.u32 s0, $0xA;
	s2 =	sadd.s32 s3, s2  }
0x8d: {  	s2 =	sadd.s32 s2, s17  }
0x8e: {  	[smem:$0x3FC7] =	sst s2  }
0x8f: {  	_ = 	snop  }
0x90: {  	s2 =	sld [smem:$0x3FD0];
	(tm) =	ssettm $0x1  }
0x91: {  	s18 =	sld [smem:$0x3FFB];
	_ =	sdelay $0x3  }
0x92: {  	_ =	strace s18  }
0x93: {  	s3 =	sld [smem:$0x3FFC];
	_ =	sdelay $0x3  }
0x94: {  	_ =	strace s3  }
0x95: {  	s3 =	sld [smem:$0x3FFD];
	_ =	sdelay $0x3  }
0x96: {  	_ =	strace s3  }
0x97: {  	_ =	strace $0x8FFFFFFF  }
0x98: {  	s19 =	sld [smem:$0x3FDB];
	_ =	sdelay $0x1  }
0x99: {  	s4 =	simm.s32 $_scs_section_size  }
0x9a: {  	s5 =	simm.s32 $_size__tile_overlayer_lowered;
	s6 =	simm.s32 $_tile_overlayer_lowered  }
0x9b: {  	s22 =	simm.s32 $0x1BFF;
	s21 =	sshll.u32 s6, $0x1;
	s3 =	sadd.s32 s4, s19  }
0x9c: {  	s7 =	simm.s32 $0x0;
	s20 =	sshll.u32 s5, $0x1;
	s5 =	sadd.s32 s21, s3  }
0x9d: {  	[timem:s7], [sflag:s22] =	dma.local [hbm:s5], s20  }
0x9e: {  	_ =	swait.ge [sflag:s22], s20  }
0x9f: {  	s4 =	ssub.s32 $0x0, s20;
	[sflag:s22] =	ssyncset.done $0x0  }
0xa0: {  	[sflag:s22] =	ssyncadd.s32 s4;
	_ =	sdelay $0x1  }
0xa1: {  	s23 =	simm.s32 $0x1B8B  }
0xa2: {  	_ =	swait.ge [sflag:s23], $0x1  }
0xa3: {  	[sflag:s23] =	ssyncset.done $0x0  }
0xa4: {  	s25 =	simm.s32 $0x1B8E;
	s24 =	sld [smem:$0x3FFE];
	[sflag:s23] =	ssyncadd.s32 $0xFFFFFFFF  }
0xa5: {  	s26 =	simm.s32 $execute0_lowered;
	[smem:$0x3FD2] =	sst s25  }
0xa6: {  	s5 =	sshll.u32 s26, $0x1;
	_ =	strace $0x80000046;
	[dreg:$0x1] =	wrdreg $0xFFFFFFFF  }
0xa7: {  	s28 =	simm.s32 $_size_execute0_lowered;
	s3 =	sadd.s32 s3, s5;
	[dreg:$0x0] =	wrdreg $0x0  }
0xa8: {  	s5 =	sshll.u32 s28, $0x1;
	[dreg:$0x2] =	wrdreg s3  }
0xa9: {  	[dreg:$0x3] =	wrdreg s5  }
0xaa: {  	[dreg:$0x4] =	wrdreg $0xC0  }
0xab: {  	_ =	task [dreg:s7], $0x5FFFF  }
0xac: {  	[dreg:$0x1] =	wrdreg $0xFFFFFFFF  }
0xad: {  	[dreg:$0x0] =	wrdreg $0x60  }
0xae: {  	[dreg:$0x2] =	wrdreg s24  }
0xaf: {  	[dreg:$0x3] =	wrdreg s2  }
0xb0: {  	[dreg:$0x4] =	wrdreg $0x147F00  }
0xb1: {  	[dreg:$0x5] =	wrdreg $0x9  }
0xb2: {  	_ =	task.clear_ibuf [dreg:s7], $0x6FFFF;
	_ =	strace $0x90000046  }
0xb3: {  	s29 =	simm.s32 $0x9;
	_ =	strace $0x80000048  }
0xb4: {  	_ =	swait.ge [sflag:s29], $0x1  }
0xb5: {  	[sflag:s29] =	ssyncadd.s32 $0xFFFFFFFF  }
0xb6: {  	_ =	strace $0x90000048  }
0xb7: {  	_ =	sfence  }
0xb8: {  	s30 =	sld [smem:$0x0];
	_ =	sdelay $0x2  }
0xb9: {  	s31 =	sshll.u32 s1, $0xD;
	s1 =	sshrl.u32 s1, $0x2  }
0xba: {  	s3 =	sand.u32 $0x4000, s31;
	s1 =	sadd.s32 s1, s30  }
0xbb: {  	s0 =	sor.u32 s3, s0;
	s1 =	sshll.u32 s1, $0x11  }
0xbc: {  	s0 =	sor.u32 s1, s0  }
0xbd: {  	s0 =	sadd.s32 $0x8F2B, s0  }
0xbe: {  	[sflag:s0] =	ssyncadd.remote.s32 $0x1  }
0xbf: {  	_ =	sfence.sel $0xFFFF  }
0xc0: {  	[dreg:$0x0] =	wrdreg $0xFFFFFFFF;
	(pc) =	sbr.abs _section_cstart, $3  }
0xc1: {  	[dreg:$0x1] =	wrdreg $0xFFFFFFFF  }
0xc2: {  	_ =	task.clear_ibuf [dreg:s7], $0x2FFFF;
	_ =	strace $0x9FFFFFFF  }
0xc3: {  	(tm) =	ssettm $0x7FFFFFFF  }
tec
execute0_lowered:
.L_overlay_start_1:
0x0: {  	(tag) =	ssettag $0x1  }
0x1: {  	s0 =	rddreg [dreg:$0x0]  }
0x2: {  	s2 =	rddreg [dreg:$0x1]  }
0x3: {  	s13 =	rddreg [dreg:$0x2];
	s1 =	simm.s32 $0x0;
	v0 =	vimm.f32 $1.500000000e+01;
	vm0 =	vcmask $0x300  }
0x4: {  	s3 =	srdreg.scid;
	s16 =	stileid.u32;
	vm14 =	vcmask $0x704;
	s18 =	simm.s32 $0x8000;
	v0 =	vsel vm0, $0x0, v0  }
0x5: {  	vm15 =	vcmask $0xB08;
	s19 =	simm.s32 $0x8B40;
	s20 =	simm.s32 $0x8E10;
	s21 =	simm.s32 $0x9010;
	v0 =	vsel vm14, $0x3F800000, v0  }
0x6: {  	vm4 =	vcmask $0xF0C;
	s22 =	simm.s32 $0xB010;
	s7 =	sand.u32 $0x1, s3;
	s14 =	smul.u32 $0x870, s16;
	v0 =	vsel vm15, $0x40000000, v0  }
0x7: {  	vm5 =	vcmask $0x1310;
	s4 =	sshll.u32 s16, $0xB;
	s26 =	sshll.u32 s16, $0x6;
	s16 =	smul.u32 $0x21C00, s16;
	v0 =	vsel vm4, $0x40400000, v0  }
0x8: {  	vm6 =	vcmask $0x1714;
	s23 =	simm.s32 $0x13710;
	s24 =	simm.s32 $0x13F80;
	s3 =	smul.u32 $0x168, s7;
	v0 =	vsel vm5, $0x40800000, v0  }
0x9: {  	vm7 =	vcmask $0x1B18;
	s25 =	simm.s32 $0x1;
	[smem:$0x7FF] =	sst s1;
	s5 =	smul.u32 $0x5A00, s7;
	v0 =	vsel vm6, $0x40A00000, v0  }
0xa: {  	vm8 =	vcmask $0x1F1C;
	_ =	strace $0x80000047;
	s8 =	sadd.s32 s4, s0;
	s4 =	smul.u32 $0x2D, s7;
	v0 =	vsel vm7, $0x40C00000, v0  }
0xb: {  	vm9 =	vcmask $0x2320;
	s6 =	ssub.s32 $0x2, s7;
	s10 =	sadd.s32 s26, s0;
	s28 =	smul.u32 $0x8700, s7;
	v0 =	vsel vm8, $0x40E00000, v0  }
0xc: {  	vm10 =	vcmask $0x2724;
	s26 =	simm.s32 $0x0;
	s11 =	sshrl.u32 s6, $0x1;
	s30 =	sshrl.u32 s16, $0x2;
	v0 =	vsel vm9, $0x41000000, v0  }
0xd: {  	vm11 =	vcmask $0x2B28;
	s16 =	simm.s32 $0x2;
	s9 =	sadd.s32 s3, s0;
	s3 =	sadd.s32 $0x11800, s0;
	v0 =	vsel vm10, $0x41100000, v0  }
0xe: {  	vm12 =	vcmask $0x2F2C;
	s12 =	sadd.s32 s5, s0;
	s15 =	ssub.s32 s6, s11;
	s5 =	sxor.u32 $0x17, s7;
	v0 =	vsel vm11, $0x41200000, v0  }
0xf: {  	vm13 =	vcmask $0x3330;
	s6 =	sadd.s32 $0x9000, s8;
	s7 =	sadd.s32 $0x1000, s8;
	s29 =	sadd.s32 s14, s28;
	v0 =	vsel vm12, $0x41300000, v0  }
0x10: {  	vm14 =	vcmask $0x3734;
	s11 =	sadd.s32 $0x11C00, s0;
	s8 =	sadd.s32 $0x11400, s9;
	s9 =	sadd.s32 $0x11000, s10;
	v0 =	vsel vm13, $0x41400000, v0  }
0x11: {  	vm15 =	vcmask $0x3B38;
	s10 =	sadd.s32 $0x11A00, s12;
	s31 =	sshrl.u32 s29, $0x3;
	s12 =	sadd.s32 s30, s13;
	v1 =	vsel vm14, $0x41500000, v0  }
0x12: {  	s13 =	sadd.s32 s14, s13;
	s15 =	smax.u32 s15, $0x1;
	s14 =	sadd.s32 s2, s31;
	v0 =	vimm.f32 $0.0e+00;
	v1 =	vsel vm15, $0x41600000, v1  }
.LBB2_1:
0x13: {  	[tilespmem:s1], [sflag:$0x2] =	stream.linear.gather [hbm4b:s6+s1], $0x4000, $0x38;
	[tilespmem:$0x1CEF0] =	vst v63  }
0x14: {  	_ =	swait.ge [sflag:s16], $0x4000  }
0x15: {  	[sflag:s16] =	ssyncset.done $0x0  }
0x16: {  	s0 =	simm.s32 $0x4000;
	[sflag:s16] =	ssyncadd.s32 $0xFFFFC000  }
0x17: {  	[tilespmem:s0], [sflag:$0x2] =	stream.linear.gather [hbm4b:s7+s1], $0x4000, $0x38;
	[tilespmem:$0x1CEF0] =	vst v63  }
0x18: {  	_ =	swait.ge [sflag:s16], $0x4000  }
0x19: {  	[sflag:s16] =	ssyncset.done $0x0  }
0x1a: {  	[sflag:s16] =	ssyncadd.s32 $0xFFFFC000  }
0x1b: {  	[tilespmem:s18], [sflag:$0x2] =	stream.linear.gather [hbm4b:s8+s1], $0xB40, $0x38;
	[tilespmem:$0x1CEF0] =	vst v63  }
0x1c: {  	_ =	swait.ge [sflag:s16], $0xB40  }
0x1d: {  	[sflag:s16] =	ssyncset.done $0x0  }
0x1e: {  	[sflag:s16] =	ssyncadd.s32 $0xFFFFF4C0  }
0x1f: {  	[tilespmem:s19], [sflag:$0x2] =	stream.linear.gather [hbm4b:s3+s1], $0x2D0, $0x38;
	[tilespmem:$0x1CEF0] =	vst v63  }
0x20: {  	_ =	swait.ge [sflag:s16], $0x2D0  }
0x21: {  	[sflag:s16] =	ssyncset.done $0x0  }
0x22: {  	[sflag:s16] =	ssyncadd.s32 $0xFFFFFD30  }
0x23: {  	[tilespmem:s20], [sflag:$0x2] =	stream.linear.gather [hbm4b:s9+s1], $0x200, $0x38;
	[tilespmem:$0x1CEF0] =	vst v63  }
0x24: {  	_ =	swait.ge [sflag:s16], $0x200  }
0x25: {  	[sflag:s16] =	ssyncset.done $0x0  }
0x26: {  	[sflag:s16] =	ssyncadd.s32 $0xFFFFFE00  }
0x27: {  	[tilespmem:s21], [sflag:$0x2] =	stream.linear.gather [hbm4b:s10+s1], $0x1000, $0x38;
	[tilespmem:$0x1CEF0] =	vst v63  }
0x28: {  	_ =	swait.ge [sflag:s16], $0x1000  }
0x29: {  	[sflag:s16] =	ssyncset.done $0x0  }
0x2a: {  	s0 =	simm.s32 $0xB050;
	[sflag:s16] =	ssyncadd.s32 $0xFFFFF000  }
0x2b: {  	[tilespmem:s0+$0xFFFFFFC0] =	vst v0  }
0x2c: {  	[tilespmem:s0+$0x30] =	vst v0  }
0x2d: {  	[tilespmem:s0+$0x20] =	vst v0  }
0x2e: {  	[tilespmem:s0+$0x10] =	vst v0  }
0x2f: {  	[tilespmem:s0+$0x0] =	vst v0  }
0x30: {  	[tilespmem:s0+$0xFFFFFFF0] =	vst v0  }
0x31: {  	s2 =	simm.s32 $0x0;
	[tilespmem:s0+$0xFFFFFFE0] =	vst v0  }
.LBB2_2:
0x32: {  	s2 =	sadd.s32 $0x8, s2;
	[tilespmem:s0+$0xFFFFFFD0] =	vst v0;
	s0 =	sadd.s32 $0x80, s0  }
0x33: {  	[tilespmem:s0+$0xFFFFFFC0] =	vst v0;
	p0 =	slt.u32 s2, $0x868  }
0x34: {  	[tilespmem:s0+$0x30] =	vst v0  }
.Ltmp0:
0x35: {  	[tilespmem:s0+$0x20] =	vst v0;
	(pc) =	sbr.rel @p0 .LBB2_2-.Ltmp0, $4  }
0x36: {  	[tilespmem:s0+$0x10] =	vst v0  }
0x37: {  	[tilespmem:s0+$0x0] =	vst v0  }
0x38: {  	[tilespmem:s0+$0xFFFFFFF0] =	vst v0  }
0x39: {  	[tilespmem:s0+$0xFFFFFFE0] =	vst v0  }
0x3a: {  	[tilespmem:s0+$0xFFFFFFD0] =	vst v0;
	s28 =	simm.s32 $0x0  }
.LBB2_4:
0x3b: {  	s0 =	sshll.u32 s28, $0x6  }
0x3c: {  	v7 =	vld [tilespmem:s0+$0x8000]  }
0x3d: {  	v2 =	vld [tilespmem:s0+$0x8010]  }
0x3e: {  	p0 =	seq.s32 s28, $0x2C;
	s2 =	sand.u32 $0x1, s28;
	p1 =	sge.u32 s28, s5;
	v3 =	vld [tilespmem:s0+$0x8020]  }
0x3f: {  	s31 =	simm.s32 $0x4200;
	s17 =	sadd.s32 @!p0 s4, s28;
	v4 =	vld [tilespmem:s0+$0x8030];
	s0 =	sshrl.u32 s0, $0x2  }
.Ltmp1:
0x40: {  	s29 =	sshll.u32 @!p0 s2, $0xC;
	s17 =	sshll.u32 @!p0 s17, $0x9;
	(pc) =	sbr.rel @p1 .LBB2_8-.Ltmp1, $4  }
0x41: {  	v5 =	vld [tilespmem:s0+$0x8B40];
	s0 =	ssub.s32 @!p0 $0xA010, s29;
	s29 =	simm.s32 @!p0 $0x0;
	s17 =	sadd.s32 @!p0 s17, s11  }
0x42: {  	[tilespmem:s0], [sflag:$0x1] =	stream.linear.gather @!p0 [hbm4b:s17+s29], $0x1000, $0x38;
	[tilespmem:$0x1CEF0] =	vst v63  }
0x43: {  	s17 =	sshll.u32 s2, $0xC;
	s0 =	simm.s32 $0x200;
	s2 =	simm.s32 $0x0;
	v6 =	vmul.f32 $1.600000000e+01, v7  }
0x44: {  	s29 =	sadd.s32 $0x9010, s17;
	s30 =	sadd.s32 $0x9810, s17;
	s17 =	simm.s32 $0x0;
	v7 =	vmul.f32 v1, v7  }
.LBB2_5:
0x45: {  	s17 =	sshll.u32 s2, $0x5  }
0x46: {  	s17 =	sand.u32 $0x3FFFFFE0, s17  }
0x47: {  	v8 =	vld [tilespmem:s17+$0x8E10];
	_ =	sdelay $0x4  }
0x48: {  	v8 =	vmul.f32 v8, v2;
	_ =	sdelay $0x1  }
0x49: {  	v8 =	vadd.f32 v8, v3;
	_ =	sdelay $0x1  }
0x4a: {  	v13 =	vadd.f32 v8, v7;
	_ =	sdelay $0x1  }
0x4b: {  	v8 =	vtrunc.f32 v13  }
0x4c: {  	v14 =	vadd.f32 v13, v6;
	v17 =	vcvt.f32.s32 v8  }
0x4d: {  	v11 =	vld [tilespmem:s0+$0xFFFFFE20]  }
0x4e: {  	v21 =	vld [tilespmem:s0+$0xFFFFFE60];
	v8 =	vadd.f32 v14, v6;
	v14 =	vtrunc.f32 v14;
	v9 =	vand.u32 $0x7FF, v17  }
0x4f: {  	v22 =	vld [tilespmem:s0+$0xFFFFFE10];
	v14 =	vcvt.f32.s32 v14  }
0x50: {  	v25 =	vld [tilespmem:s0+$0xFFFFFE30];
	v10 =	vtrunc.f32 v8;
	v12 =	vadd.f32 v8, v6  }
0x51: {  	v30 =	vld [tilespmem:s0+$0xFFFFFE50];
	v15 =	vcvt.f32.s32 v10;
	v37 =	vand.u32 $0x7FF, v14  }
0x52: {  	v8 =	vld [tilespmem:s0+$0xFFFFFE00];
	v10 =	vtrunc.f32 v12;
	v12 =	vadd.f32 v12, v6  }
0x53: {  	v19 =	vand.u32 $0x7FF, v15;
	v16 =	vcvt.f32.s32 v10;
	v18 =	vld.idx.msk [tilespmem:v9+s29+$0x0], $0xffff  }
0x54: {  	v20 =	vtrunc.f32 v12;
	v12 =	vadd.f32 v12, v6;
	v10 =	vld.idx.msk [tilespmem:v9+s30+$0x0], $0xffff  }
0x55: {  	v23 =	vand.u32 $0x7FF, v16;
	v24 =	vcvt.f32.s32 v20;
	v20 =	vld [tilespmem:s0+$0xFFFFFE40]  }
0x56: {  	v9 =	vtrunc.f32 v12;
	v43 =	vld.idx.msk [tilespmem:v37+s30+$0x0], $0xffff  }
0x57: {  	v26 =	vadd.f32 v12, v6;
	v37 =	vld.idx.msk [tilespmem:v37+s29+$0x0], $0xffff;
	v27 =	vand.u32 $0x7FF, v24;
	v28 =	vcvt.f32.s32 v9  }
0x58: {  	v12 =	vld.idx.msk [tilespmem:v19+s30+$0x0], $0xffff  }
0x59: {  	v29 =	vtrunc.f32 v26;
	v49 =	vld.idx.msk [tilespmem:v19+s29+$0x0], $0xffff;
	v61 =	vand.u32 $0x7FF, v28  }
0x5a: {  	v17 =	vshra.s32 v17, $0xB;
	v29 =	vcvt.f32.s32 v29;
	v31 =	vld.idx.msk [tilespmem:v23+s29+$0x0], $0xffff  }
0x5b: {  	v42 =	vsub.f32 v4, v18;
	v45 =	vmul.f32 v8, v18;
	v18 =	vadd.s32 v5, v17;
	v23 =	vld.idx.msk [tilespmem:v23+s30+$0x0], $0xffff  }
0x5c: {  	v9 =	vadd.f32 v26, v6;
	v34 =	vld.idx.msk [tilespmem:v27+s29+$0x0], $0xffff  }
0x5d: {  	v33 =	vand.u32 $0x7FF, v29;
	v27 =	vld.idx.msk [tilespmem:v27+s30+$0x0], $0xffff  }
0x5e: {  	v16 =	vshra.s32 v16, $0xB;
	v32 =	vtrunc.f32 v9;
	v36 =	vld.idx.msk [tilespmem:v61+s29+$0x0], $0xffff  }
0x5f: {  	v38 =	vadd.s32 v5, v16;
	v63 =	vadd.s32 $0x1, v18;
	v32 =	vcvt.f32.s32 v32;
	v26 =	vld.idx.msk [tilespmem:v61+s30+$0x0], $0xffff  }
0x60: {  	v16 =	vadd.f32 v13, v2;
	v19 =	vsub.f32 v42, v10;
	[tilespmem:v18+s22+$0x0] =	vst.idx.add.f32.msk $0xffff, v45  }
0x61: {  	v35 =	vand.u32 $0x7FF, v32;
	v41 =	vmul.f32 v25, v31;
	v17 =	vsub.f32 v4, v31;
	v31 =	vld [tilespmem:s0+$0xFFFFFE70]  }
0x62: {  	v13 =	vshra.s32 v24, $0xB;
	v28 =	vshra.s32 v28, $0xB;
	v19 =	vmul.f32 v8, v19;
	v39 =	vld.idx.msk [tilespmem:v33+s29+$0x0], $0xffff  }
0x63: {  	v47 =	vadd.s32 $0x1, v38;
	v28 =	vadd.s32 v5, v28;
	v24 =	vld.idx.msk [tilespmem:v33+s30+$0x0], $0xffff;
	v33 =	vadd.s32 v5, v13  }
0x64: {  	v29 =	vshra.s32 v29, $0xB;
	v60 =	vsub.f32 v4, v37;
	v37 =	vmul.f32 v22, v37;
	[tilespmem:v63+s22+$0x0] =	vst.idx.add.f32.msk $0xffff, v19  }
0x65: {  	v29 =	vadd.s32 v5, v29;
	[tilespmem:v38+s22+$0x0] =	vst.idx.add.f32.msk $0xffff, v41;
	v17 =	vsub.f32 v17, v23  }
0x66: {  	v32 =	vshra.s32 v32, $0xB;
	v13 =	vadd.f32 v16, v6;
	v62 =	vmul.f32 v20, v34;
	v40 =	vld.idx.msk [tilespmem:v35+s29+$0x0], $0xffff  }
0x67: {  	v32 =	vadd.s32 v5, v32;
	v38 =	vadd.s32 $0x2, v38;
	v35 =	vld.idx.msk [tilespmem:v35+s30+$0x0], $0xffff;
	v17 =	vmul.f32 v25, v17  }
0x68: {  	v44 =	vadd.f32 v13, v6;
	v48 =	vmul.f32 v30, v36;
	[tilespmem:v33+s22+$0x0] =	vst.idx.add.f32.msk $0xffff, v62  }
0x69: {  	v14 =	vshra.s32 v14, $0xB;
	[tilespmem:v47+s22+$0x0] =	vst.idx.add.f32.msk $0xffff, v17;
	v17 =	vmul.f32 v21, v39;
	v39 =	vsub.f32 v4, v39  }
0x6a: {  	v59 =	vadd.s32 $0x1, v29;
	v23 =	vmul.f32 v25, v23;
	v46 =	vadd.f32 v44, v6;
	[tilespmem:v28+s22+$0x0] =	vst.idx.add.f32.msk $0xffff, v48  }
0x6b: {  	[tilespmem:v29+s22+$0x0] =	vst.idx.add.f32.msk $0xffff, v17;
	v17 =	vadd.s32 v5, v14;
	v39 =	vsub.f32 v39, v24  }
0x6c: {  	[tilespmem:v38+s22+$0x0] =	vst.idx.add.f32.msk $0xffff, v23;
	v54 =	vsub.f32 v4, v40;
	v57 =	vmul.f32 v31, v40;
	v29 =	vadd.s32 $0x2, v29  }
0x6d: {  	v55 =	vadd.s32 $0x1, v32;
	v52 =	vtrunc.f32 v46;
	v14 =	vld [tilespmem:s0+$0x30];
	v48 =	vmul.f32 v21, v39  }
0x6e: {  	v42 =	vcvt.f32.s32 v52;
	v61 =	vadd.s32 $0x1, v17;
	v19 =	vsub.f32 v54, v35;
	[tilespmem:v32+s22+$0x0] =	vst.idx.add.f32.msk $0xffff, v57  }
0x6f: {  	v63 =	vsub.f32 v60, v43;
	v21 =	vmul.f32 v21, v24;
	[tilespmem:v59+s22+$0x0] =	vst.idx.add.f32.msk $0xffff, v48  }
0x70: {  	v53 =	vand.u32 $0x7FF, v42;
	v45 =	vmul.f32 v31, v19;
	[tilespmem:v17+s22+$0x0] =	vst.idx.add.f32.msk $0xffff, v37  }
0x71: {  	v31 =	vmul.f32 v31, v35;
	v35 =	vmul.f32 v22, v63;
	[tilespmem:v29+s22+$0x0] =	vst.idx.add.f32.msk $0xffff, v21  }
0x72: {  	v58 =	vadd.s32 $0x2, v32;
	v41 =	vadd.f32 v46, v6;
	[tilespmem:v55+s22+$0x0] =	vst.idx.add.f32.msk $0xffff, v45  }
0x73: {  	v62 =	vadd.s32 $0x2, v17;
	[tilespmem:v61+s22+$0x0] =	vst.idx.add.f32.msk $0xffff, v35  }
0x74: {  	v15 =	vshra.s32 v15, $0xB;
	v50 =	vsub.f32 v4, v36;
	v56 =	vadd.f32 v41, v6;
	v23 =	vld [tilespmem:s0+$0x60]  }
0x75: {  	v60 =	vadd.s32 $0x1, v33;
	v52 =	vadd.s32 $0x1, v28;
	v57 =	vsub.f32 v4, v34;
	v19 =	vld.idx.msk [tilespmem:v53+s29+$0x0], $0xffff  }
0x76: {  	v54 =	vsub.f32 v50, v26;
	v32 =	vadd.f32 v56, v6;
	v22 =	vmul.f32 v22, v43;
	v17 =	vld.idx.msk [tilespmem:v53+s30+$0x0], $0xffff  }
0x77: {  	v59 =	vtrunc.f32 v41;
	v55 =	vadd.s32 $0x2, v28;
	v28 =	vsub.f32 v57, v27;
	[tilespmem:v58+s22+$0x0] =	vst.idx.add.f32.msk $0xffff, v31  }
0x78: {  	v61 =	vadd.s32 $0x2, v33;
	[tilespmem:v62+s22+$0x0] =	vst.idx.add.f32.msk $0xffff, v22;
	v53 =	vtrunc.f32 v56;
	v56 =	vmul.f32 v30, v54  }
0x79: {  	v15 =	vadd.s32 v5, v15;
	v21 =	vcvt.f32.s32 v59;
	v25 =	vld [tilespmem:s0+$0x70];
	v28 =	vmul.f32 v20, v28  }
0x7a: {  	v26 =	vmul.f32 v30, v26;
	[tilespmem:v52+s22+$0x0] =	vst.idx.add.f32.msk $0xffff, v56  }
0x7b: {  	v46 =	vtrunc.f32 v32;
	v34 =	vand.u32 $0x7FF, v21;
	v20 =	vmul.f32 v20, v27;
	[tilespmem:v60+s22+$0x0] =	vst.idx.add.f32.msk $0xffff, v28  }
0x7c: {  	v37 =	vcvt.f32.s32 v46;
	v56 =	vmul.f32 v11, v49;
	[tilespmem:v55+s22+$0x0] =	vst.idx.add.f32.msk $0xffff, v26  }
0x7d: {  	v22 =	vcvt.f32.s32 v53;
	[tilespmem:v61+s22+$0x0] =	vst.idx.add.f32.msk $0xffff, v20  }
0x7e: {  	v48 =	vsub.f32 v4, v49;
	v51 =	vand.u32 $0x7FF, v37;
	[tilespmem:v15+s22+$0x0] =	vst.idx.add.f32.msk $0xffff, v56  }
0x7f: {  	v32 =	vadd.f32 v32, v6;
	v58 =	vand.u32 $0x7FF, v22;
	v22 =	vshra.s32 v22, $0xB;
	v26 =	vld [tilespmem:s0+$0x50]  }
0x80: {  	v57 =	vadd.s32 $0x1, v15;
	v20 =	vadd.s32 v5, v22;
	v22 =	vld.idx.msk [tilespmem:v34+s29+$0x0], $0xffff  }
0x81: {  	v59 =	vadd.s32 $0x2, v15;
	v24 =	vsub.f32 v48, v12;
	v62 =	vtrunc.f32 v32;
	v36 =	vld [tilespmem:s0+$0x40]  }
0x82: {  	v33 =	vcvt.f32.s32 v62;
	v34 =	vld.idx.msk [tilespmem:v34+s30+$0x0], $0xffff  }
0x83: {  	v15 =	vmul.f32 v11, v24;
	v30 =	vld.idx.msk [tilespmem:v51+s29+$0x0], $0xffff  }
0x84: {  	v63 =	vand.u32 $0x7FF, v33;
	v11 =	vmul.f32 v11, v12;
	v31 =	vld.idx.msk [tilespmem:v51+s30+$0x0], $0xffff  }
0x85: {  	[tilespmem:v57+s22+$0x0] =	vst.idx.add.f32.msk $0xffff, v15  }
0x86: {  	v61 =	vshra.s32 v42, $0xB;
	[tilespmem:v59+s22+$0x0] =	vst.idx.add.f32.msk $0xffff, v11  }
0x87: {  	v12 =	vshra.s32 v21, $0xB;
	v15 =	vadd.s32 v5, v61;
	v35 =	vld.idx.msk [tilespmem:v58+s29+$0x0], $0xffff  }
0x88: {  	v12 =	vadd.s32 v5, v12;
	v28 =	vld.idx.msk [tilespmem:v58+s30+$0x0], $0xffff  }
0x89: {  	v16 =	vtrunc.f32 v16;
	v50 =	vshra.s32 v37, $0xB;
	v11 =	vadd.s32 $0x2, v18;
	v55 =	vld.idx.msk [tilespmem:v63+s29+$0x0], $0xffff  }
0x8a: {  	v16 =	vcvt.f32.s32 v16;
	v29 =	vadd.s32 v5, v50;
	v62 =	vmul.f32 v14, v19;
	v27 =	vld.idx.msk [tilespmem:v63+s30+$0x0], $0xffff  }
0x8b: {  	v53 =	vtrunc.f32 v44;
	v18 =	vld [tilespmem:s0+$0x20];
	v44 =	vsub.f32 v4, v22;
	v22 =	vmul.f32 v36, v22  }
0x8c: {  	v8 =	vmul.f32 v8, v10;
	v45 =	vand.u32 $0x7FF, v16;
	v58 =	vcvt.f32.s32 v53;
	[tilespmem:v15+s22+$0x0] =	vst.idx.add.f32.msk $0xffff, v62  }
0x8d: {  	v51 =	vsub.f32 v4, v30;
	v30 =	vmul.f32 v23, v30;
	[tilespmem:v12+s22+$0x0] =	vst.idx.add.f32.msk $0xffff, v22  }
0x8e: {  	v54 =	vadd.s32 $0x1, v29;
	v60 =	vand.u32 $0x7FF, v58;
	[tilespmem:v11+s22+$0x0] =	vst.idx.add.f32.msk $0xffff, v8  }
0x8f: {  	v46 =	vshra.s32 v33, $0xB;
	v10 =	vadd.s32 $0x1, v12;
	v47 =	vadd.s32 $0x2, v12;
	[tilespmem:v29+s22+$0x0] =	vst.idx.add.f32.msk $0xffff, v30  }
0x90: {  	v12 =	vadd.s32 v5, v46;
	v52 =	vmul.f32 v26, v35;
	v37 =	vsub.f32 v51, v31;
	v49 =	vld [tilespmem:s0+$0x0]  }
0x91: {  	v51 =	vld.idx.msk [tilespmem:v45+s30+$0x0], $0xffff  }
0x92: {  	v8 =	vtrunc.f32 v13;
	v29 =	vadd.s32 $0x2, v29;
	[tilespmem:v20+s22+$0x0] =	vst.idx.add.f32.msk $0xffff, v52;
	v37 =	vmul.f32 v23, v37  }
0x93: {  	v63 =	vld.idx.msk [tilespmem:v60+s30+$0x0], $0xffff;
	v52 =	vcvt.f32.s32 v8;
	v8 =	vmul.f32 v25, v55  }
0x94: {  	v48 =	vsub.f32 v4, v55;
	[tilespmem:v54+s22+$0x0] =	vst.idx.add.f32.msk $0xffff, v37;
	v37 =	vsub.f32 v44, v34  }
0x95: {  	v11 =	vadd.s32 $0x1, v12;
	v50 =	vadd.s32 $0x2, v12;
	[tilespmem:v12+s22+$0x0] =	vst.idx.add.f32.msk $0xffff, v8;
	v12 =	vmul.f32 v23, v31  }
0x96: {  	v24 =	vld.idx.msk [tilespmem:v60+s29+$0x0], $0xffff;
	v21 =	vsub.f32 v48, v27;
	v13 =	vmul.f32 v36, v37  }
0x97: {  	[tilespmem:v29+s22+$0x0] =	vst.idx.add.f32.msk $0xffff, v12  }
0x98: {  	v53 =	vand.u32 $0x7FF, v52;
	[tilespmem:v10+s22+$0x0] =	vst.idx.add.f32.msk $0xffff, v13;
	v10 =	vmul.f32 v25, v21  }
0x99: {  	v34 =	vmul.f32 v36, v34;
	v8 =	vshra.s32 v58, $0xB;
	v12 =	vld.idx.msk [tilespmem:v45+s29+$0x0], $0xffff;
	v13 =	vmul.f32 v25, v27  }
0x9a: {  	[tilespmem:v11+s22+$0x0] =	vst.idx.add.f32.msk $0xffff, v10;
	v10 =	vsub.f32 v4, v35;
	v11 =	vadd.s32 v5, v8  }
0x9b: {  	[tilespmem:v47+s22+$0x0] =	vst.idx.add.f32.msk $0xffff, v34;
	v8 =	vsub.f32 v4, v19;
	v19 =	vadd.s32 $0x1, v20  }
0x9c: {  	v16 =	vshra.s32 v16, $0xB;
	[tilespmem:v50+s22+$0x0] =	vst.idx.add.f32.msk $0xffff, v13;
	v13 =	vsub.f32 v4, v24;
	v10 =	vsub.f32 v10, v28  }
0x9d: {  	v56 =	vld.idx.msk [tilespmem:v53+s30+$0x0], $0xffff;
	v54 =	vadd.s32 $0x1, v11;
	v55 =	vsub.f32 v8, v17;
	v8 =	vmul.f32 v18, v24  }
0x9e: {  	v57 =	vadd.s32 $0x1, v15;
	v21 =	vld.idx.msk [tilespmem:v53+s29+$0x0], $0xffff;
	v13 =	vsub.f32 v13, v63;
	v10 =	vmul.f32 v26, v10  }
0x9f: {  	v16 =	vadd.s32 v5, v16;
	v15 =	vadd.s32 $0x2, v15;
	[tilespmem:v11+s22+$0x0] =	vst.idx.add.f32.msk $0xffff, v8  }
0xa0: {  	v60 =	vadd.s32 $0x1, v16;
	v17 =	vmul.f32 v14, v17;
	v58 =	vmul.f32 v18, v13;
	[tilespmem:v19+s22+$0x0] =	vst.idx.add.f32.msk $0xffff, v10  }
0xa1: {  	v13 =	vadd.f32 v9, v6;
	v9 =	vmul.f32 v14, v55;
	v14 =	vadd.s32 $0x2, v20;
	v19 =	vld [tilespmem:s0+$0x10]  }
0xa2: {  	v59 =	vadd.s32 $0x2, v11;
	v10 =	vsub.f32 v4, v12;
	v12 =	vmul.f32 v49, v12;
	[tilespmem:v54+s22+$0x0] =	vst.idx.add.f32.msk $0xffff, v58  }
0xa3: {  	v61 =	vshra.s32 v52, $0xB;
	v8 =	vadd.f32 v32, v6;
	v11 =	vmul.f32 v26, v28;
	[tilespmem:v57+s22+$0x0] =	vst.idx.add.f32.msk $0xffff, v9  }
0xa4: {  	v62 =	vsub.f32 v10, v51;
	[tilespmem:v16+s22+$0x0] =	vst.idx.add.f32.msk $0xffff, v12;
	v12 =	vsub.f32 v4, v21;
	v16 =	vadd.s32 $0x2, v16  }
0xa5: {  	v18 =	vmul.f32 v18, v63;
	v10 =	vadd.s32 v5, v61;
	[tilespmem:v15+s22+$0x0] =	vst.idx.add.f32.msk $0xffff, v17  }
0xa6: {  	v17 =	vmul.f32 v49, v62;
	v63 =	vsub.f32 v12, v56;
	[tilespmem:v14+s22+$0x0] =	vst.idx.add.f32.msk $0xffff, v11;
	v11 =	vadd.s32 $0x1, v10  }
0xa7: {  	v9 =	vmul.f32 v49, v51;
	[tilespmem:v59+s22+$0x0] =	vst.idx.add.f32.msk $0xffff, v18;
	v12 =	vadd.s32 $0x2, v10;
	v15 =	vmul.f32 v19, v21  }
0xa8: {  	s31 =	smov.u32 s0;
	s17 =	simm.s32 $0x0;
	v14 =	vmul.f32 v19, v56;
	[tilespmem:v60+s22+$0x0] =	vst.idx.add.f32.msk $0xffff, v17;
	v17 =	vmul.f32 v19, v63  }
.LBB2_6:
0xa9: {  	v18 =	vtrunc.f32 v13;
	v13 =	vadd.f32 v13, v6;
	s17 =	sadd.s32 $0x8, s17;
	[tilespmem:v16+s22+$0x0] =	vst.idx.add.f32.msk $0xffff, v9;
	s31 =	sadd.s32 $0x80, s31;
	v9 =	vmov v8  }
0xaa: {  	v20 =	vcvt.f32.s32 v18;
	p1 =	slt.u32 s17, $0x18;
	[tilespmem:v10+s22+$0x0] =	vst.idx.add.f32.msk $0xffff, v15  }
0xab: {  	v10 =	vtrunc.f32 v13;
	v13 =	vadd.f32 v13, v6;
	[tilespmem:v11+s22+$0x0] =	vst.idx.add.f32.msk $0xffff, v17  }
0xac: {  	v15 =	vand.u32 $0x7FF, v20;
	v24 =	vcvt.f32.s32 v10;
	[tilespmem:v12+s22+$0x0] =	vst.idx.add.f32.msk $0xffff, v14  }
0xad: {  	v11 =	vtrunc.f32 v13;
	v10 =	vld [tilespmem:s31+$0xFFFFFE20];
	v12 =	vadd.f32 v13, v6  }
0xae: {  	v13 =	vld [tilespmem:s31+$0xFFFFFE00];
	v22 =	vshra.s32 v24, $0xB;
	v14 =	vcvt.f32.s32 v11  }
0xaf: {  	v18 =	vtrunc.f32 v12;
	v12 =	vadd.f32 v12, v6;
	v16 =	vld [tilespmem:s31+$0xFFFFFE60]  }
0xb0: {  	v17 =	vld [tilespmem:s31+$0xFFFFFE10];
	v11 =	vshra.s32 v14, $0xB;
	v25 =	vand.u32 $0x7FF, v14;
	v14 =	vcvt.f32.s32 v18  }
0xb1: {  	v26 =	vld.idx.msk [tilespmem:v15+s29+$0x0], $0xffff;
	v18 =	vtrunc.f32 v12;
	v12 =	vadd.f32 v12, v6  }
0xb2: {  	v15 =	vld.idx.msk [tilespmem:v15+s30+$0x0], $0xffff;
	v27 =	vshra.s32 v14, $0xB;
	v28 =	vand.u32 $0x7FF, v14;
	v14 =	vcvt.f32.s32 v18  }
0xb3: {  	v29 =	vld [tilespmem:s31+$0xFFFFFE30];
	v18 =	vtrunc.f32 v12;
	v12 =	vadd.f32 v12, v6  }
0xb4: {  	v30 =	vshra.s32 v14, $0xB;
	v31 =	vand.u32 $0x7FF, v14;
	v23 =	vld [tilespmem:s31+$0xFFFFFE40];
	v18 =	vcvt.f32.s32 v18  }
0xb5: {  	v19 =	vld.idx.msk [tilespmem:v25+s30+$0x0], $0xffff;
	v32 =	vtrunc.f32 v12;
	v14 =	vadd.f32 v12, v6  }
0xb6: {  	v33 =	vshra.s32 v18, $0xB;
	v34 =	vand.u32 $0x7FF, v18;
	v21 =	vld [tilespmem:s31+$0xFFFFFE50];
	v32 =	vcvt.f32.s32 v32  }
0xb7: {  	v12 =	vsub.f32 v4, v26;
	v18 =	vadd.f32 v8, v6;
	v8 =	vld.idx.msk [tilespmem:v28+s29+$0x0], $0xffff;
	v35 =	vtrunc.f32 v14  }
0xb8: {  	v26 =	vmul.f32 v13, v26;
	v28 =	vld.idx.msk [tilespmem:v28+s30+$0x0], $0xffff;
	v36 =	vand.u32 $0x7FF, v32;
	v35 =	vcvt.f32.s32 v35  }
0xb9: {  	v38 =	vadd.s32 v5, v22;
	v37 =	vsub.f32 v12, v15;
	v22 =	vadd.f32 v18, v6;
	v39 =	vld.idx.msk [tilespmem:v31+s29+$0x0], $0xffff  }
0xba: {  	v12 =	vshra.s32 v20, $0xB;
	v31 =	vld.idx.msk [tilespmem:v31+s30+$0x0], $0xffff;
	v20 =	vshra.s32 v35, $0xB;
	v35 =	vand.u32 $0x7FF, v35  }
0xbb: {  	v12 =	vadd.s32 v5, v12;
	v37 =	vmul.f32 v13, v37;
	v40 =	vadd.f32 v22, v6;
	v41 =	vld.idx.msk [tilespmem:v34+s29+$0x0], $0xffff  }
0xbc: {  	v24 =	vand.u32 $0x7FF, v24;
	v27 =	vadd.s32 v5, v27;
	v42 =	vadd.s32 $0x1, v12;
	v34 =	vld.idx.msk [tilespmem:v34+s30+$0x0], $0xffff  }
0xbd: {  	v43 =	vadd.s32 $0x2, v38;
	v44 =	vsub.f32 v4, v8;
	v45 =	vadd.f32 v40, v6;
	v46 =	vld.idx.msk [tilespmem:v36+s29+$0x0], $0xffff  }
0xbe: {  	v47 =	vadd.s32 $0x1, v27;
	v8 =	vmul.f32 v29, v8;
	v40 =	vtrunc.f32 v40;
	v36 =	vld.idx.msk [tilespmem:v36+s30+$0x0], $0xffff  }
0xbf: {  	v48 =	vadd.s32 $0x2, v27;
	v30 =	vadd.s32 v5, v30;
	v49 =	vadd.f32 v45, v6;
	v50 =	vld.idx.msk [tilespmem:v35+s29+$0x0], $0xffff  }
0xc0: {  	v33 =	vadd.s32 v5, v33;
	v51 =	vmul.f32 v29, v28;
	v45 =	vtrunc.f32 v45;
	v35 =	vld.idx.msk [tilespmem:v35+s30+$0x0], $0xffff  }
0xc1: {  	v53 =	vsub.f32 v4, v39;
	v54 =	vmul.f32 v21, v41;
	v55 =	vadd.f32 v49, v6;
	v52 =	vld.idx.msk [tilespmem:v24+s30+$0x0], $0xffff  }
0xc2: {  	v32 =	vshra.s32 v32, $0xB;
	[tilespmem:v27+s22+$0x0] =	vst.idx.add.f32.msk $0xffff, v8;
	v8 =	vmul.f32 v23, v39;
	v27 =	vcvt.f32.s32 v45  }
0xc3: {  	v32 =	vadd.s32 v5, v32;
	v39 =	vtrunc.f32 v49;
	v45 =	vadd.f32 v55, v6;
	v49 =	vld [tilespmem:s31+$0xFFFFFE70]  }
0xc4: {  	v40 =	vcvt.f32.s32 v40;
	v28 =	vsub.f32 v44, v28;
	[tilespmem:v30+s22+$0x0] =	vst.idx.add.f32.msk $0xffff, v8;
	v8 =	vtrunc.f32 v55  }
0xc5: {  	v41 =	vsub.f32 v4, v41;
	v44 =	vsub.f32 v4, v50;
	v55 =	vadd.s32 v5, v20;
	v25 =	vld.idx.msk [tilespmem:v25+s29+$0x0], $0xffff  }
0xc6: {  	v56 =	vand.u32 $0x7FF, v40;
	v57 =	vtrunc.f32 v45;
	[tilespmem:v33+s22+$0x0] =	vst.idx.add.f32.msk $0xffff, v54;
	v54 =	vadd.s32 $0x1, v55  }
0xc7: {  	v20 =	vmul.f32 v29, v28;
	v29 =	vadd.s32 $0x2, v55;
	v28 =	vsub.f32 v44, v35;
	v24 =	vld.idx.msk [tilespmem:v24+s29+$0x0], $0xffff  }
0xc8: {  	v8 =	vcvt.f32.s32 v8;
	[tilespmem:v12+s22+$0x0] =	vst.idx.add.f32.msk $0xffff, v26;
	v26 =	vadd.s32 $0x1, v38;
	v44 =	vmul.f32 v49, v50  }
0xc9: {  	v50 =	vadd.s32 $0x1, v32;
	v28 =	vmul.f32 v49, v28;
	[tilespmem:v47+s22+$0x0] =	vst.idx.add.f32.msk $0xffff, v20;
	v47 =	vmul.f32 v16, v46  }
0xca: {  	v35 =	vmul.f32 v49, v35;
	v20 =	vshra.s32 v40, $0xB;
	[tilespmem:v42+s22+$0x0] =	vst.idx.add.f32.msk $0xffff, v37;
	v37 =	vsub.f32 v53, v31  }
0xcb: {  	v40 =	vmul.f32 v21, v34;
	v42 =	vsub.f32 v4, v46;
	[tilespmem:v32+s22+$0x0] =	vst.idx.add.f32.msk $0xffff, v47;
	v32 =	vadd.s32 $0x2, v32  }
0xcc: {  	v34 =	vsub.f32 v41, v34;
	v41 =	vcvt.f32.s32 v57;
	v46 =	vmul.f32 v17, v52;
	[tilespmem:v48+s22+$0x0] =	vst.idx.add.f32.msk $0xffff, v51  }
0xcd: {  	v49 =	vand.u32 $0x7FF, v8;
	v47 =	vsub.f32 v4, v24;
	v37 =	vmul.f32 v23, v37;
	v48 =	vld [tilespmem:s31+$0x30]  }
0xce: {  	v24 =	vmul.f32 v17, v24;
	v23 =	vmul.f32 v23, v31;
	v31 =	vadd.s32 $0x1, v33;
	v51 =	vld.idx.msk [tilespmem:v56+s29+$0x0], $0xffff  }
0xcf: {  	v33 =	vadd.s32 $0x2, v33;
	v47 =	vsub.f32 v47, v52;
	v52 =	vshra.s32 v27, $0xB;
	[tilespmem:v55+s22+$0x0] =	vst.idx.add.f32.msk $0xffff, v44  }
0xd0: {  	v42 =	vsub.f32 v42, v36;
	v36 =	vmul.f32 v16, v36;
	[tilespmem:v54+s22+$0x0] =	vst.idx.add.f32.msk $0xffff, v28;
	v28 =	vshra.s32 v41, $0xB  }
0xd1: {  	v21 =	vmul.f32 v21, v34;
	v34 =	vshra.s32 v8, $0xB;
	[tilespmem:v38+s22+$0x0] =	vst.idx.add.f32.msk $0xffff, v24;
	v24 =	vsub.f32 v4, v25  }
0xd2: {  	v8 =	vadd.f32 v45, v6;
	v16 =	vmul.f32 v16, v42;
	v17 =	vmul.f32 v17, v47;
	v38 =	vld.idx.msk [tilespmem:v56+s30+$0x0], $0xffff  }
0xd3: {  	v22 =	vtrunc.f32 v22;
	v24 =	vsub.f32 v24, v19;
	v19 =	vmul.f32 v10, v19;
	[tilespmem:v29+s22+$0x0] =	vst.idx.add.f32.msk $0xffff, v35  }
0xd4: {  	v22 =	vcvt.f32.s32 v22;
	v29 =	vmul.f32 v48, v51;
	v35 =	vand.u32 $0x7FF, v41;
	[tilespmem:v50+s22+$0x0] =	vst.idx.add.f32.msk $0xffff, v16  }
0xd5: {  	v41 =	vmul.f32 v13, v15;
	[tilespmem:v26+s22+$0x0] =	vst.idx.add.f32.msk $0xffff, v17;
	v24 =	vmul.f32 v10, v24  }
0xd6: {  	v13 =	vcvt.f32.s32 v39;
	v17 =	vshra.s32 v22, $0xB;
	v26 =	vadd.s32 $0x1, v30;
	[tilespmem:v43+s22+$0x0] =	vst.idx.add.f32.msk $0xffff, v46  }
0xd7: {  	v15 =	vtrunc.f32 v18;
	v18 =	vadd.s32 $0x2, v30;
	v16 =	vsub.f32 v4, v51;
	v30 =	vld [tilespmem:s31+$0x70]  }
0xd8: {  	v27 =	vand.u32 $0x7FF, v27;
	v39 =	vshra.s32 v13, $0xB;
	v42 =	vand.u32 $0x7FF, v13;
	[tilespmem:v32+s22+$0x0] =	vst.idx.add.f32.msk $0xffff, v36  }
0xd9: {  	v16 =	vsub.f32 v16, v38;
	v32 =	vcvt.f32.s32 v15;
	v15 =	vmul.f32 v48, v38;
	v36 =	vld [tilespmem:s31+$0x60]  }
0xda: {  	v13 =	vadd.f32 v14, v6;
	v38 =	vld.idx.msk [tilespmem:v49+s29+$0x0], $0xffff  }
0xdb: {  	v16 =	vmul.f32 v48, v16;
	v14 =	vshra.s32 v32, $0xB;
	[tilespmem:v31+s22+$0x0] =	vst.idx.add.f32.msk $0xffff, v21  }
0xdc: {  	[tilespmem:v33+s22+$0x0] =	vst.idx.add.f32.msk $0xffff, v40  }
0xdd: {  	v28 =	vadd.s32 v5, v28;
	v21 =	vld [tilespmem:s31+$0x50]  }
0xde: {  	v31 =	vld.idx.msk [tilespmem:v49+s30+$0x0], $0xffff  }
0xdf: {  	v34 =	vadd.s32 v5, v34;
	v33 =	vld.idx.msk [tilespmem:v42+s29+$0x0], $0xffff  }
0xe0: {  	[tilespmem:v26+s22+$0x0] =	vst.idx.add.f32.msk $0xffff, v37;
	v26 =	vadd.s32 $0x1, v28  }
0xe1: {  	v10 =	vmul.f32 v10, v25;
	v37 =	vadd.s32 $0x2, v28;
	v25 =	vld.idx.msk [tilespmem:v42+s30+$0x0], $0xffff  }
0xe2: {  	[tilespmem:v18+s22+$0x0] =	vst.idx.add.f32.msk $0xffff, v23;
	v18 =	vadd.s32 v5, v39;
	v23 =	vsub.f32 v4, v38  }
0xe3: {  	v38 =	vmul.f32 v36, v38;
	v39 =	vld.idx.msk [tilespmem:v27+s29+$0x0], $0xffff  }
0xe4: {  	v11 =	vadd.s32 v5, v11;
	v40 =	vld [tilespmem:s31+$0x40];
	v23 =	vsub.f32 v23, v31;
	v31 =	vmul.f32 v36, v31  }
0xe5: {  	v44 =	vadd.s32 $0x1, v34;
	v42 =	vadd.s32 $0x2, v11;
	v43 =	vmul.f32 v21, v33;
	v27 =	vld.idx.msk [tilespmem:v27+s30+$0x0], $0xffff  }
0xe6: {  	v45 =	vadd.s32 v5, v52;
	v33 =	vsub.f32 v4, v33;
	v23 =	vmul.f32 v36, v23;
	v36 =	vld.idx.msk [tilespmem:v35+s29+$0x0], $0xffff  }
0xe7: {  	v47 =	vadd.s32 $0x1, v45;
	v46 =	vadd.s32 $0x1, v11;
	[tilespmem:v18+s22+$0x0] =	vst.idx.add.f32.msk $0xffff, v43;
	v43 =	vmul.f32 v21, v25  }
0xe8: {  	v22 =	vand.u32 $0x7FF, v22;
	v48 =	vadd.s32 $0x2, v45;
	v25 =	vsub.f32 v33, v25;
	v33 =	vld.idx.msk [tilespmem:v35+s30+$0x0], $0xffff  }
0xe9: {  	[tilespmem:v11+s22+$0x0] =	vst.idx.add.f32.msk $0xffff, v10;
	v10 =	vsub.f32 v4, v39;
	v11 =	vmul.f32 v40, v39  }
0xea: {  	v21 =	vmul.f32 v21, v25;
	[tilespmem:v34+s22+$0x0] =	vst.idx.add.f32.msk $0xffff, v38  }
0xeb: {  	v25 =	vmul.f32 v40, v27;
	v10 =	vsub.f32 v10, v27;
	[tilespmem:v44+s22+$0x0] =	vst.idx.add.f32.msk $0xffff, v23  }
0xec: {  	v20 =	vadd.s32 v5, v20;
	v23 =	vmul.f32 v30, v36;
	[tilespmem:v46+s22+$0x0] =	vst.idx.add.f32.msk $0xffff, v24  }
0xed: {  	v9 =	vtrunc.f32 v9;
	[tilespmem:v42+s22+$0x0] =	vst.idx.add.f32.msk $0xffff, v19;
	v10 =	vmul.f32 v40, v10;
	v19 =	vsub.f32 v4, v36  }
0xee: {  	v9 =	vcvt.f32.s32 v9;
	v12 =	vadd.s32 $0x2, v12;
	v27 =	vmul.f32 v30, v33;
	v24 =	vld [tilespmem:s31+$0x20]  }
0xef: {  	v35 =	vld.idx.msk [tilespmem:v22+s30+$0x0], $0xffff;
	v19 =	vsub.f32 v19, v33  }
0xf0: {  	v33 =	vand.u32 $0x7FF, v9;
	v22 =	vld.idx.msk [tilespmem:v22+s29+$0x0], $0xffff  }
0xf1: {  	[tilespmem:v20+s22+$0x0] =	vst.idx.add.f32.msk $0xffff, v29;
	v29 =	vadd.s32 $0x2, v34;
	v19 =	vmul.f32 v30, v19  }
0xf2: {  	[tilespmem:v45+s22+$0x0] =	vst.idx.add.f32.msk $0xffff, v11  }
0xf3: {  	[tilespmem:v12+s22+$0x0] =	vst.idx.add.f32.msk $0xffff, v41  }
0xf4: {  	v11 =	vld [tilespmem:s31+$0x0]  }
0xf5: {  	v30 =	vmul.f32 v24, v35;
	v12 =	vld.idx.msk [tilespmem:v33+s30+$0x0], $0xffff  }
0xf6: {  	v34 =	vsub.f32 v4, v22;
	v22 =	vmul.f32 v24, v22;
	[tilespmem:v47+s22+$0x0] =	vst.idx.add.f32.msk $0xffff, v10  }
0xf7: {  	[tilespmem:v48+s22+$0x0] =	vst.idx.add.f32.msk $0xffff, v25  }
0xf8: {  	v10 =	vand.u32 $0x7FF, v32;
	v25 =	vsub.f32 v34, v35;
	[tilespmem:v28+s22+$0x0] =	vst.idx.add.f32.msk $0xffff, v23  }
0xf9: {  	[tilespmem:v26+s22+$0x0] =	vst.idx.add.f32.msk $0xffff, v19  }
0xfa: {  	v17 =	vadd.s32 v5, v17;
	v19 =	vmul.f32 v24, v25;
	[tilespmem:v37+s22+$0x0] =	vst.idx.add.f32.msk $0xffff, v27  }
0xfb: {  	v23 =	vadd.s32 $0x1, v18;
	[tilespmem:v29+s22+$0x0] =	vst.idx.add.f32.msk $0xffff, v31  }
0xfc: {  	v25 =	vadd.s32 $0x1, v17;
	v24 =	vld.idx.msk [tilespmem:v33+s29+$0x0], $0xffff  }
0xfd: {  	v26 =	vld.idx.msk [tilespmem:v10+s30+$0x0], $0xffff  }
0xfe: {  	v9 =	vshra.s32 v9, $0xB;
	v27 =	vld.idx.msk [tilespmem:v10+s29+$0x0], $0xffff;
	v10 =	vadd.s32 $0x1, v20  }
0xff: {  	v28 =	vadd.s32 v5, v9;
	[tilespmem:v17+s22+$0x0] =	vst.idx.add.f32.msk $0xffff, v22  }
0x100: {  	v9 =	vmul.f32 v11, v12;
	v20 =	vadd.s32 $0x2, v20;
	[tilespmem:v23+s22+$0x0] =	vst.idx.add.f32.msk $0xffff, v21  }
0x101: {  	v18 =	vadd.s32 $0x2, v18;
	[tilespmem:v25+s22+$0x0] =	vst.idx.add.f32.msk $0xffff, v19  }
0x102: {  	v17 =	vadd.s32 $0x2, v17;
	v19 =	vsub.f32 v4, v24;
	v21 =	vmul.f32 v11, v24;
	v22 =	vld [tilespmem:s31+$0x10]  }
0x103: {  	v23 =	vadd.s32 $0x1, v28;
	[tilespmem:v10+s22+$0x0] =	vst.idx.add.f32.msk $0xffff, v16  }
.Ltmp2:
0x104: {  	v12 =	vsub.f32 v19, v12;
	v16 =	vadd.s32 $0x2, v28;
	v19 =	vsub.f32 v4, v27;
	[tilespmem:v28+s22+$0x0] =	vst.idx.add.f32.msk $0xffff, v21;
	(pc) =	sbr.rel @p1 .LBB2_6-.Ltmp2, $4  }
0x105: {  	v10 =	vadd.s32 v5, v14;
	[tilespmem:v20+s22+$0x0] =	vst.idx.add.f32.msk $0xffff, v15  }
0x106: {  	v20 =	vmul.f32 v11, v12;
	v19 =	vsub.f32 v19, v26;
	v11 =	vadd.s32 $0x1, v10;
	[tilespmem:v18+s22+$0x0] =	vst.idx.add.f32.msk $0xffff, v43  }
0x107: {  	v12 =	vadd.s32 $0x2, v10;
	v15 =	vmul.f32 v22, v27;
	v14 =	vmul.f32 v22, v26;
	[tilespmem:v17+s22+$0x0] =	vst.idx.add.f32.msk $0xffff, v30  }
0x108: {  	v17 =	vmul.f32 v22, v19;
	[tilespmem:v23+s22+$0x0] =	vst.idx.add.f32.msk $0xffff, v20  }
0x109: {  	_ = 	snop  }
0x10a: {  	s2 =	sadd.s32 $0x1, s2  }
0x10b: {  	p1 =	seq.s32 s2, $0x10  }
.Ltmp3:
0x10c: {  	_ = 	snop;
	(pc) =	sbr.rel @!p1 .LBB2_5-.Ltmp3, $4  }
.Ltmp4:
0x10d: {  	[tilespmem:v16+s22+$0x0] =	vst.idx.add.f32.msk $0xffff, v9;
	(pc) =	sbr.rel @p1 .LBB2_11-.Ltmp4, $4  }
0x10e: {  	[tilespmem:v10+s22+$0x0] =	vst.idx.add.f32.msk $0xffff, v15  }
0x10f: {  	[tilespmem:v11+s22+$0x0] =	vst.idx.add.f32.msk $0xffff, v17  }
0x110: {  	s0 =	sadd.s32 $0x400, s0;
	[tilespmem:v12+s22+$0x0] =	vst.idx.add.f32.msk $0xffff, v14  }
0x111: {  	_ = 	snop  }
.LBB2_8:
0x112: {  	s0 =	sshll.u32 s17, $0x5  }
0x113: {  	s0 =	sand.u32 $0x3FFFFFE0, s0  }
0x114: {  	v8 =	vld [tilespmem:s0+$0x8E10];
	_ =	sdelay $0x4  }
0x115: {  	v8 =	vmul.f32 v8, v2;
	_ =	sdelay $0x1  }
0x116: {  	v8 =	vadd.f32 v8, v3;
	_ =	sdelay $0x1  }
0x117: {  	v13 =	vadd.f32 v8, v7;
	_ =	sdelay $0x1  }
0x118: {  	v8 =	vtrunc.f32 v13  }
0x119: {  	v14 =	vadd.f32 v13, v6;
	v17 =	vcvt.f32.s32 v8  }
0x11a: {  	v11 =	vld [tilespmem:s31+$0xFFFFFE20]  }
0x11b: {  	v21 =	vld [tilespmem:s31+$0xFFFFFE60];
	v8 =	vadd.f32 v14, v6;
	v14 =	vtrunc.f32 v14;
	v9 =	vand.u32 $0x7FF, v17  }
0x11c: {  	v22 =	vld [tilespmem:s31+$0xFFFFFE10];
	v14 =	vcvt.f32.s32 v14  }
0x11d: {  	v25 =	vld [tilespmem:s31+$0xFFFFFE30];
	v10 =	vtrunc.f32 v8;
	v12 =	vadd.f32 v8, v6  }
0x11e: {  	v30 =	vld [tilespmem:s31+$0xFFFFFE50];
	v15 =	vcvt.f32.s32 v10;
	v37 =	vand.u32 $0x7FF, v14  }
0x11f: {  	v8 =	vld [tilespmem:s31+$0xFFFFFE00];
	v10 =	vtrunc.f32 v12;
	v12 =	vadd.f32 v12, v6  }
0x120: {  	v19 =	vand.u32 $0x7FF, v15;
	v16 =	vcvt.f32.s32 v10;
	v18 =	vld.idx.msk [tilespmem:v9+s29+$0x0], $0xffff  }
0x121: {  	v20 =	vtrunc.f32 v12;
	v12 =	vadd.f32 v12, v6;
	v10 =	vld.idx.msk [tilespmem:v9+s30+$0x0], $0xffff  }
0x122: {  	v23 =	vand.u32 $0x7FF, v16;
	v24 =	vcvt.f32.s32 v20;
	v20 =	vld [tilespmem:s31+$0xFFFFFE40]  }
0x123: {  	v9 =	vtrunc.f32 v12;
	v43 =	vld.idx.msk [tilespmem:v37+s30+$0x0], $0xffff  }
0x124: {  	v26 =	vadd.f32 v12, v6;
	v37 =	vld.idx.msk [tilespmem:v37+s29+$0x0], $0xffff;
	v27 =	vand.u32 $0x7FF, v24;
	v28 =	vcvt.f32.s32 v9  }
0x125: {  	v12 =	vld.idx.msk [tilespmem:v19+s30+$0x0], $0xffff  }
0x126: {  	v29 =	vtrunc.f32 v26;
	v49 =	vld.idx.msk [tilespmem:v19+s29+$0x0], $0xffff;
	v61 =	vand.u32 $0x7FF, v28  }
0x127: {  	v17 =	vshra.s32 v17, $0xB;
	v29 =	vcvt.f32.s32 v29;
	v31 =	vld.idx.msk [tilespmem:v23+s29+$0x0], $0xffff  }
0x128: {  	v42 =	vsub.f32 v4, v18;
	v45 =	vmul.f32 v8, v18;
	v18 =	vadd.s32 v5, v17;
	v23 =	vld.idx.msk [tilespmem:v23+s30+$0x0], $0xffff  }
0x129: {  	v9 =	vadd.f32 v26, v6;
	v34 =	vld.idx.msk [tilespmem:v27+s29+$0x0], $0xffff  }
0x12a: {  	v33 =	vand.u32 $0x7FF, v29;
	v27 =	vld.idx.msk [tilespmem:v27+s30+$0x0], $0xffff  }
0x12b: {  	v16 =	vshra.s32 v16, $0xB;
	v32 =	vtrunc.f32 v9;
	v36 =	vld.idx.msk [tilespmem:v61+s29+$0x0], $0xffff  }
0x12c: {  	v38 =	vadd.s32 v5, v16;
	v63 =	vadd.s32 $0x1, v18;
	v32 =	vcvt.f32.s32 v32;
	v26 =	vld.idx.msk [tilespmem:v61+s30+$0x0], $0xffff  }
0x12d: {  	v16 =	vadd.f32 v13, v2;
	v19 =	vsub.f32 v42, v10;
	[tilespmem:v18+s22+$0x0] =	vst.idx.add.f32.msk $0xffff, v45  }
0x12e: {  	v35 =	vand.u32 $0x7FF, v32;
	v41 =	vmul.f32 v25, v31;
	v17 =	vsub.f32 v4, v31;
	v31 =	vld [tilespmem:s31+$0xFFFFFE70]  }
0x12f: {  	v13 =	vshra.s32 v24, $0xB;
	v28 =	vshra.s32 v28, $0xB;
	v19 =	vmul.f32 v8, v19;
	v39 =	vld.idx.msk [tilespmem:v33+s29+$0x0], $0xffff  }
0x130: {  	v47 =	vadd.s32 $0x1, v38;
	v28 =	vadd.s32 v5, v28;
	v24 =	vld.idx.msk [tilespmem:v33+s30+$0x0], $0xffff;
	v33 =	vadd.s32 v5, v13  }
0x131: {  	v29 =	vshra.s32 v29, $0xB;
	v60 =	vsub.f32 v4, v37;
	v37 =	vmul.f32 v22, v37;
	[tilespmem:v63+s22+$0x0] =	vst.idx.add.f32.msk $0xffff, v19  }
0x132: {  	v29 =	vadd.s32 v5, v29;
	[tilespmem:v38+s22+$0x0] =	vst.idx.add.f32.msk $0xffff, v41;
	v17 =	vsub.f32 v17, v23  }
0x133: {  	v32 =	vshra.s32 v32, $0xB;
	v13 =	vadd.f32 v16, v6;
	v62 =	vmul.f32 v20, v34;
	v40 =	vld.idx.msk [tilespmem:v35+s29+$0x0], $0xffff  }
0x134: {  	v32 =	vadd.s32 v5, v32;
	v38 =	vadd.s32 $0x2, v38;
	v35 =	vld.idx.msk [tilespmem:v35+s30+$0x0], $0xffff;
	v17 =	vmul.f32 v25, v17  }
0x135: {  	v44 =	vadd.f32 v13, v6;
	v48 =	vmul.f32 v30, v36;
	[tilespmem:v33+s22+$0x0] =	vst.idx.add.f32.msk $0xffff, v62  }
0x136: {  	v14 =	vshra.s32 v14, $0xB;
	[tilespmem:v47+s22+$0x0] =	vst.idx.add.f32.msk $0xffff, v17;
	v17 =	vmul.f32 v21, v39;
	v39 =	vsub.f32 v4, v39  }
0x137: {  	v59 =	vadd.s32 $0x1, v29;
	v23 =	vmul.f32 v25, v23;
	v46 =	vadd.f32 v44, v6;
	[tilespmem:v28+s22+$0x0] =	vst.idx.add.f32.msk $0xffff, v48  }
0x138: {  	[tilespmem:v29+s22+$0x0] =	vst.idx.add.f32.msk $0xffff, v17;
	v17 =	vadd.s32 v5, v14;
	v39 =	vsub.f32 v39, v24  }
0x139: {  	[tilespmem:v38+s22+$0x0] =	vst.idx.add.f32.msk $0xffff, v23;
	v54 =	vsub.f32 v4, v40;
	v57 =	vmul.f32 v31, v40;
	v29 =	vadd.s32 $0x2, v29  }
0x13a: {  	v55 =	vadd.s32 $0x1, v32;
	v52 =	vtrunc.f32 v46;
	v14 =	vld [tilespmem:s31+$0x30];
	v48 =	vmul.f32 v21, v39  }
0x13b: {  	v42 =	vcvt.f32.s32 v52;
	v61 =	vadd.s32 $0x1, v17;
	v19 =	vsub.f32 v54, v35;
	[tilespmem:v32+s22+$0x0] =	vst.idx.add.f32.msk $0xffff, v57  }
0x13c: {  	v63 =	vsub.f32 v60, v43;
	v21 =	vmul.f32 v21, v24;
	[tilespmem:v59+s22+$0x0] =	vst.idx.add.f32.msk $0xffff, v48  }
0x13d: {  	v53 =	vand.u32 $0x7FF, v42;
	v45 =	vmul.f32 v31, v19;
	[tilespmem:v17+s22+$0x0] =	vst.idx.add.f32.msk $0xffff, v37  }
0x13e: {  	v31 =	vmul.f32 v31, v35;
	v35 =	vmul.f32 v22, v63;
	[tilespmem:v29+s22+$0x0] =	vst.idx.add.f32.msk $0xffff, v21  }
0x13f: {  	v58 =	vadd.s32 $0x2, v32;
	v41 =	vadd.f32 v46, v6;
	[tilespmem:v55+s22+$0x0] =	vst.idx.add.f32.msk $0xffff, v45  }
0x140: {  	v62 =	vadd.s32 $0x2, v17;
	[tilespmem:v61+s22+$0x0] =	vst.idx.add.f32.msk $0xffff, v35  }
0x141: {  	v15 =	vshra.s32 v15, $0xB;
	v50 =	vsub.f32 v4, v36;
	v56 =	vadd.f32 v41, v6;
	v23 =	vld [tilespmem:s31+$0x60]  }
0x142: {  	v60 =	vadd.s32 $0x1, v33;
	v52 =	vadd.s32 $0x1, v28;
	v57 =	vsub.f32 v4, v34;
	v19 =	vld.idx.msk [tilespmem:v53+s29+$0x0], $0xffff  }
0x143: {  	v54 =	vsub.f32 v50, v26;
	v32 =	vadd.f32 v56, v6;
	v22 =	vmul.f32 v22, v43;
	v17 =	vld.idx.msk [tilespmem:v53+s30+$0x0], $0xffff  }
0x144: {  	v59 =	vtrunc.f32 v41;
	v55 =	vadd.s32 $0x2, v28;
	v28 =	vsub.f32 v57, v27;
	[tilespmem:v58+s22+$0x0] =	vst.idx.add.f32.msk $0xffff, v31  }
0x145: {  	v61 =	vadd.s32 $0x2, v33;
	[tilespmem:v62+s22+$0x0] =	vst.idx.add.f32.msk $0xffff, v22;
	v53 =	vtrunc.f32 v56;
	v56 =	vmul.f32 v30, v54  }
0x146: {  	v15 =	vadd.s32 v5, v15;
	v21 =	vcvt.f32.s32 v59;
	v25 =	vld [tilespmem:s31+$0x70];
	v28 =	vmul.f32 v20, v28  }
0x147: {  	v26 =	vmul.f32 v30, v26;
	[tilespmem:v52+s22+$0x0] =	vst.idx.add.f32.msk $0xffff, v56  }
0x148: {  	v46 =	vtrunc.f32 v32;
	v34 =	vand.u32 $0x7FF, v21;
	v20 =	vmul.f32 v20, v27;
	[tilespmem:v60+s22+$0x0] =	vst.idx.add.f32.msk $0xffff, v28  }
0x149: {  	v37 =	vcvt.f32.s32 v46;
	v56 =	vmul.f32 v11, v49;
	[tilespmem:v55+s22+$0x0] =	vst.idx.add.f32.msk $0xffff, v26  }
0x14a: {  	v22 =	vcvt.f32.s32 v53;
	[tilespmem:v61+s22+$0x0] =	vst.idx.add.f32.msk $0xffff, v20  }
0x14b: {  	v48 =	vsub.f32 v4, v49;
	v51 =	vand.u32 $0x7FF, v37;
	[tilespmem:v15+s22+$0x0] =	vst.idx.add.f32.msk $0xffff, v56  }
0x14c: {  	v32 =	vadd.f32 v32, v6;
	v58 =	vand.u32 $0x7FF, v22;
	v22 =	vshra.s32 v22, $0xB;
	v26 =	vld [tilespmem:s31+$0x50]  }
0x14d: {  	v57 =	vadd.s32 $0x1, v15;
	v20 =	vadd.s32 v5, v22;
	v22 =	vld.idx.msk [tilespmem:v34+s29+$0x0], $0xffff  }
0x14e: {  	v59 =	vadd.s32 $0x2, v15;
	v24 =	vsub.f32 v48, v12;
	v62 =	vtrunc.f32 v32;
	v36 =	vld [tilespmem:s31+$0x40]  }
0x14f: {  	v33 =	vcvt.f32.s32 v62;
	v34 =	vld.idx.msk [tilespmem:v34+s30+$0x0], $0xffff  }
0x150: {  	v15 =	vmul.f32 v11, v24;
	v30 =	vld.idx.msk [tilespmem:v51+s29+$0x0], $0xffff  }
0x151: {  	v63 =	vand.u32 $0x7FF, v33;
	v11 =	vmul.f32 v11, v12;
	v31 =	vld.idx.msk [tilespmem:v51+s30+$0x0], $0xffff  }
0x152: {  	[tilespmem:v57+s22+$0x0] =	vst.idx.add.f32.msk $0xffff, v15  }
0x153: {  	v61 =	vshra.s32 v42, $0xB;
	[tilespmem:v59+s22+$0x0] =	vst.idx.add.f32.msk $0xffff, v11  }
0x154: {  	v12 =	vshra.s32 v21, $0xB;
	v15 =	vadd.s32 v5, v61;
	v35 =	vld.idx.msk [tilespmem:v58+s29+$0x0], $0xffff  }
0x155: {  	v12 =	vadd.s32 v5, v12;
	v28 =	vld.idx.msk [tilespmem:v58+s30+$0x0], $0xffff  }
0x156: {  	v16 =	vtrunc.f32 v16;
	v50 =	vshra.s32 v37, $0xB;
	v11 =	vadd.s32 $0x2, v18;
	v55 =	vld.idx.msk [tilespmem:v63+s29+$0x0], $0xffff  }
0x157: {  	v16 =	vcvt.f32.s32 v16;
	v29 =	vadd.s32 v5, v50;
	v62 =	vmul.f32 v14, v19;
	v27 =	vld.idx.msk [tilespmem:v63+s30+$0x0], $0xffff  }
0x158: {  	v53 =	vtrunc.f32 v44;
	v18 =	vld [tilespmem:s31+$0x20];
	v44 =	vsub.f32 v4, v22;
	v22 =	vmul.f32 v36, v22  }
0x159: {  	v8 =	vmul.f32 v8, v10;
	v45 =	vand.u32 $0x7FF, v16;
	v58 =	vcvt.f32.s32 v53;
	[tilespmem:v15+s22+$0x0] =	vst.idx.add.f32.msk $0xffff, v62  }
0x15a: {  	v51 =	vsub.f32 v4, v30;
	v30 =	vmul.f32 v23, v30;
	[tilespmem:v12+s22+$0x0] =	vst.idx.add.f32.msk $0xffff, v22  }
0x15b: {  	v54 =	vadd.s32 $0x1, v29;
	v60 =	vand.u32 $0x7FF, v58;
	[tilespmem:v11+s22+$0x0] =	vst.idx.add.f32.msk $0xffff, v8  }
0x15c: {  	v46 =	vshra.s32 v33, $0xB;
	v10 =	vadd.s32 $0x1, v12;
	v47 =	vadd.s32 $0x2, v12;
	[tilespmem:v29+s22+$0x0] =	vst.idx.add.f32.msk $0xffff, v30  }
0x15d: {  	v12 =	vadd.s32 v5, v46;
	v52 =	vmul.f32 v26, v35;
	v37 =	vsub.f32 v51, v31;
	v49 =	vld [tilespmem:s31+$0x0]  }
0x15e: {  	v51 =	vld.idx.msk [tilespmem:v45+s30+$0x0], $0xffff  }
0x15f: {  	v8 =	vtrunc.f32 v13;
	v29 =	vadd.s32 $0x2, v29;
	[tilespmem:v20+s22+$0x0] =	vst.idx.add.f32.msk $0xffff, v52;
	v37 =	vmul.f32 v23, v37  }
0x160: {  	v63 =	vld.idx.msk [tilespmem:v60+s30+$0x0], $0xffff;
	v52 =	vcvt.f32.s32 v8;
	v8 =	vmul.f32 v25, v55  }
0x161: {  	v48 =	vsub.f32 v4, v55;
	[tilespmem:v54+s22+$0x0] =	vst.idx.add.f32.msk $0xffff, v37;
	v37 =	vsub.f32 v44, v34  }
0x162: {  	v11 =	vadd.s32 $0x1, v12;
	v50 =	vadd.s32 $0x2, v12;
	[tilespmem:v12+s22+$0x0] =	vst.idx.add.f32.msk $0xffff, v8;
	v12 =	vmul.f32 v23, v31  }
0x163: {  	v24 =	vld.idx.msk [tilespmem:v60+s29+$0x0], $0xffff;
	v21 =	vsub.f32 v48, v27;
	v13 =	vmul.f32 v36, v37  }
0x164: {  	[tilespmem:v29+s22+$0x0] =	vst.idx.add.f32.msk $0xffff, v12  }
0x165: {  	v53 =	vand.u32 $0x7FF, v52;
	[tilespmem:v10+s22+$0x0] =	vst.idx.add.f32.msk $0xffff, v13;
	v10 =	vmul.f32 v25, v21  }
0x166: {  	v34 =	vmul.f32 v36, v34;
	v8 =	vshra.s32 v58, $0xB;
	v12 =	vld.idx.msk [tilespmem:v45+s29+$0x0], $0xffff;
	v13 =	vmul.f32 v25, v27  }
0x167: {  	[tilespmem:v11+s22+$0x0] =	vst.idx.add.f32.msk $0xffff, v10;
	v10 =	vsub.f32 v4, v35;
	v11 =	vadd.s32 v5, v8  }
0x168: {  	[tilespmem:v47+s22+$0x0] =	vst.idx.add.f32.msk $0xffff, v34;
	v8 =	vsub.f32 v4, v19;
	v19 =	vadd.s32 $0x1, v20  }
0x169: {  	v16 =	vshra.s32 v16, $0xB;
	[tilespmem:v50+s22+$0x0] =	vst.idx.add.f32.msk $0xffff, v13;
	v13 =	vsub.f32 v4, v24;
	v10 =	vsub.f32 v10, v28  }
0x16a: {  	v56 =	vld.idx.msk [tilespmem:v53+s30+$0x0], $0xffff;
	v54 =	vadd.s32 $0x1, v11;
	v55 =	vsub.f32 v8, v17;
	v8 =	vmul.f32 v18, v24  }
0x16b: {  	v57 =	vadd.s32 $0x1, v15;
	v21 =	vld.idx.msk [tilespmem:v53+s29+$0x0], $0xffff;
	v13 =	vsub.f32 v13, v63;
	v10 =	vmul.f32 v26, v10  }
0x16c: {  	v16 =	vadd.s32 v5, v16;
	v15 =	vadd.s32 $0x2, v15;
	[tilespmem:v11+s22+$0x0] =	vst.idx.add.f32.msk $0xffff, v8  }
0x16d: {  	v60 =	vadd.s32 $0x1, v16;
	v17 =	vmul.f32 v14, v17;
	v58 =	vmul.f32 v18, v13;
	[tilespmem:v19+s22+$0x0] =	vst.idx.add.f32.msk $0xffff, v10  }
0x16e: {  	v13 =	vadd.f32 v9, v6;
	v9 =	vmul.f32 v14, v55;
	v14 =	vadd.s32 $0x2, v20;
	v19 =	vld [tilespmem:s31+$0x10]  }
0x16f: {  	v59 =	vadd.s32 $0x2, v11;
	v10 =	vsub.f32 v4, v12;
	v12 =	vmul.f32 v49, v12;
	[tilespmem:v54+s22+$0x0] =	vst.idx.add.f32.msk $0xffff, v58  }
0x170: {  	v61 =	vshra.s32 v52, $0xB;
	v8 =	vadd.f32 v32, v6;
	v11 =	vmul.f32 v26, v28;
	[tilespmem:v57+s22+$0x0] =	vst.idx.add.f32.msk $0xffff, v9  }
0x171: {  	v62 =	vsub.f32 v10, v51;
	[tilespmem:v16+s22+$0x0] =	vst.idx.add.f32.msk $0xffff, v12;
	v12 =	vsub.f32 v4, v21;
	v16 =	vadd.s32 $0x2, v16  }
0x172: {  	v18 =	vmul.f32 v18, v63;
	v10 =	vadd.s32 v5, v61;
	[tilespmem:v15+s22+$0x0] =	vst.idx.add.f32.msk $0xffff, v17  }
0x173: {  	v17 =	vmul.f32 v49, v62;
	v63 =	vsub.f32 v12, v56;
	[tilespmem:v14+s22+$0x0] =	vst.idx.add.f32.msk $0xffff, v11;
	v11 =	vadd.s32 $0x1, v10  }
0x174: {  	v9 =	vmul.f32 v49, v51;
	[tilespmem:v59+s22+$0x0] =	vst.idx.add.f32.msk $0xffff, v18;
	v12 =	vadd.s32 $0x2, v10;
	v15 =	vmul.f32 v19, v21  }
0x175: {  	s2 =	smov.u32 s31;
	s0 =	simm.s32 $0x0;
	v14 =	vmul.f32 v19, v56;
	[tilespmem:v60+s22+$0x0] =	vst.idx.add.f32.msk $0xffff, v17;
	v17 =	vmul.f32 v19, v63  }
.LBB2_9:
0x176: {  	v18 =	vtrunc.f32 v13;
	v13 =	vadd.f32 v13, v6;
	s0 =	sadd.s32 $0x8, s0;
	[tilespmem:v16+s22+$0x0] =	vst.idx.add.f32.msk $0xffff, v9;
	s2 =	sadd.s32 $0x80, s2;
	v9 =	vmov v8  }
0x177: {  	v20 =	vcvt.f32.s32 v18;
	p1 =	slt.u32 s0, $0x18;
	[tilespmem:v10+s22+$0x0] =	vst.idx.add.f32.msk $0xffff, v15  }
0x178: {  	v10 =	vtrunc.f32 v13;
	v13 =	vadd.f32 v13, v6;
	[tilespmem:v11+s22+$0x0] =	vst.idx.add.f32.msk $0xffff, v17  }
0x179: {  	v15 =	vand.u32 $0x7FF, v20;
	v24 =	vcvt.f32.s32 v10;
	[tilespmem:v12+s22+$0x0] =	vst.idx.add.f32.msk $0xffff, v14  }
0x17a: {  	v11 =	vtrunc.f32 v13;
	v10 =	vld [tilespmem:s2+$0xFFFFFE20];
	v12 =	vadd.f32 v13, v6  }
0x17b: {  	v13 =	vld [tilespmem:s2+$0xFFFFFE00];
	v22 =	vshra.s32 v24, $0xB;
	v14 =	vcvt.f32.s32 v11  }
0x17c: {  	v18 =	vtrunc.f32 v12;
	v12 =	vadd.f32 v12, v6;
	v16 =	vld [tilespmem:s2+$0xFFFFFE60]  }
0x17d: {  	v17 =	vld [tilespmem:s2+$0xFFFFFE10];
	v11 =	vshra.s32 v14, $0xB;
	v25 =	vand.u32 $0x7FF, v14;
	v14 =	vcvt.f32.s32 v18  }
0x17e: {  	v26 =	vld.idx.msk [tilespmem:v15+s29+$0x0], $0xffff;
	v18 =	vtrunc.f32 v12;
	v12 =	vadd.f32 v12, v6  }
0x17f: {  	v15 =	vld.idx.msk [tilespmem:v15+s30+$0x0], $0xffff;
	v27 =	vshra.s32 v14, $0xB;
	v28 =	vand.u32 $0x7FF, v14;
	v14 =	vcvt.f32.s32 v18  }
0x180: {  	v29 =	vld [tilespmem:s2+$0xFFFFFE30];
	v18 =	vtrunc.f32 v12;
	v12 =	vadd.f32 v12, v6  }
0x181: {  	v30 =	vshra.s32 v14, $0xB;
	v31 =	vand.u32 $0x7FF, v14;
	v23 =	vld [tilespmem:s2+$0xFFFFFE40];
	v18 =	vcvt.f32.s32 v18  }
0x182: {  	v19 =	vld.idx.msk [tilespmem:v25+s30+$0x0], $0xffff;
	v32 =	vtrunc.f32 v12;
	v14 =	vadd.f32 v12, v6  }
0x183: {  	v33 =	vshra.s32 v18, $0xB;
	v34 =	vand.u32 $0x7FF, v18;
	v21 =	vld [tilespmem:s2+$0xFFFFFE50];
	v32 =	vcvt.f32.s32 v32  }
0x184: {  	v12 =	vsub.f32 v4, v26;
	v18 =	vadd.f32 v8, v6;
	v8 =	vld.idx.msk [tilespmem:v28+s29+$0x0], $0xffff;
	v35 =	vtrunc.f32 v14  }
0x185: {  	v26 =	vmul.f32 v13, v26;
	v28 =	vld.idx.msk [tilespmem:v28+s30+$0x0], $0xffff;
	v36 =	vand.u32 $0x7FF, v32;
	v35 =	vcvt.f32.s32 v35  }
0x186: {  	v38 =	vadd.s32 v5, v22;
	v37 =	vsub.f32 v12, v15;
	v22 =	vadd.f32 v18, v6;
	v39 =	vld.idx.msk [tilespmem:v31+s29+$0x0], $0xffff  }
0x187: {  	v12 =	vshra.s32 v20, $0xB;
	v31 =	vld.idx.msk [tilespmem:v31+s30+$0x0], $0xffff;
	v20 =	vshra.s32 v35, $0xB;
	v35 =	vand.u32 $0x7FF, v35  }
0x188: {  	v12 =	vadd.s32 v5, v12;
	v37 =	vmul.f32 v13, v37;
	v40 =	vadd.f32 v22, v6;
	v41 =	vld.idx.msk [tilespmem:v34+s29+$0x0], $0xffff  }
0x189: {  	v24 =	vand.u32 $0x7FF, v24;
	v27 =	vadd.s32 v5, v27;
	v42 =	vadd.s32 $0x1, v12;
	v34 =	vld.idx.msk [tilespmem:v34+s30+$0x0], $0xffff  }
0x18a: {  	v43 =	vadd.s32 $0x2, v38;
	v44 =	vsub.f32 v4, v8;
	v45 =	vadd.f32 v40, v6;
	v46 =	vld.idx.msk [tilespmem:v36+s29+$0x0], $0xffff  }
0x18b: {  	v47 =	vadd.s32 $0x1, v27;
	v8 =	vmul.f32 v29, v8;
	v40 =	vtrunc.f32 v40;
	v36 =	vld.idx.msk [tilespmem:v36+s30+$0x0], $0xffff  }
0x18c: {  	v48 =	vadd.s32 $0x2, v27;
	v30 =	vadd.s32 v5, v30;
	v49 =	vadd.f32 v45, v6;
	v50 =	vld.idx.msk [tilespmem:v35+s29+$0x0], $0xffff  }
0x18d: {  	v33 =	vadd.s32 v5, v33;
	v51 =	vmul.f32 v29, v28;
	v45 =	vtrunc.f32 v45;
	v35 =	vld.idx.msk [tilespmem:v35+s30+$0x0], $0xffff  }
0x18e: {  	v53 =	vsub.f32 v4, v39;
	v54 =	vmul.f32 v21, v41;
	v55 =	vadd.f32 v49, v6;
	v52 =	vld.idx.msk [tilespmem:v24+s30+$0x0], $0xffff  }
0x18f: {  	v32 =	vshra.s32 v32, $0xB;
	[tilespmem:v27+s22+$0x0] =	vst.idx.add.f32.msk $0xffff, v8;
	v8 =	vmul.f32 v23, v39;
	v27 =	vcvt.f32.s32 v45  }
0x190: {  	v32 =	vadd.s32 v5, v32;
	v39 =	vtrunc.f32 v49;
	v45 =	vadd.f32 v55, v6;
	v49 =	vld [tilespmem:s2+$0xFFFFFE70]  }
0x191: {  	v40 =	vcvt.f32.s32 v40;
	v28 =	vsub.f32 v44, v28;
	[tilespmem:v30+s22+$0x0] =	vst.idx.add.f32.msk $0xffff, v8;
	v8 =	vtrunc.f32 v55  }
0x192: {  	v41 =	vsub.f32 v4, v41;
	v44 =	vsub.f32 v4, v50;
	v55 =	vadd.s32 v5, v20;
	v25 =	vld.idx.msk [tilespmem:v25+s29+$0x0], $0xffff  }
0x193: {  	v56 =	vand.u32 $0x7FF, v40;
	v57 =	vtrunc.f32 v45;
	[tilespmem:v33+s22+$0x0] =	vst.idx.add.f32.msk $0xffff, v54;
	v54 =	vadd.s32 $0x1, v55  }
0x194: {  	v20 =	vmul.f32 v29, v28;
	v29 =	vadd.s32 $0x2, v55;
	v28 =	vsub.f32 v44, v35;
	v24 =	vld.idx.msk [tilespmem:v24+s29+$0x0], $0xffff  }
0x195: {  	v8 =	vcvt.f32.s32 v8;
	[tilespmem:v12+s22+$0x0] =	vst.idx.add.f32.msk $0xffff, v26;
	v26 =	vadd.s32 $0x1, v38;
	v44 =	vmul.f32 v49, v50  }
0x196: {  	v50 =	vadd.s32 $0x1, v32;
	v28 =	vmul.f32 v49, v28;
	[tilespmem:v47+s22+$0x0] =	vst.idx.add.f32.msk $0xffff, v20;
	v47 =	vmul.f32 v16, v46  }
0x197: {  	v35 =	vmul.f32 v49, v35;
	v20 =	vshra.s32 v40, $0xB;
	[tilespmem:v42+s22+$0x0] =	vst.idx.add.f32.msk $0xffff, v37;
	v37 =	vsub.f32 v53, v31  }
0x198: {  	v40 =	vmul.f32 v21, v34;
	v42 =	vsub.f32 v4, v46;
	[tilespmem:v32+s22+$0x0] =	vst.idx.add.f32.msk $0xffff, v47;
	v32 =	vadd.s32 $0x2, v32  }
0x199: {  	v34 =	vsub.f32 v41, v34;
	v41 =	vcvt.f32.s32 v57;
	v46 =	vmul.f32 v17, v52;
	[tilespmem:v48+s22+$0x0] =	vst.idx.add.f32.msk $0xffff, v51  }
0x19a: {  	v49 =	vand.u32 $0x7FF, v8;
	v47 =	vsub.f32 v4, v24;
	v37 =	vmul.f32 v23, v37;
	v48 =	vld [tilespmem:s2+$0x30]  }
0x19b: {  	v24 =	vmul.f32 v17, v24;
	v23 =	vmul.f32 v23, v31;
	v31 =	vadd.s32 $0x1, v33;
	v51 =	vld.idx.msk [tilespmem:v56+s29+$0x0], $0xffff  }
0x19c: {  	v33 =	vadd.s32 $0x2, v33;
	v47 =	vsub.f32 v47, v52;
	v52 =	vshra.s32 v27, $0xB;
	[tilespmem:v55+s22+$0x0] =	vst.idx.add.f32.msk $0xffff, v44  }
0x19d: {  	v42 =	vsub.f32 v42, v36;
	v36 =	vmul.f32 v16, v36;
	[tilespmem:v54+s22+$0x0] =	vst.idx.add.f32.msk $0xffff, v28;
	v28 =	vshra.s32 v41, $0xB  }
0x19e: {  	v21 =	vmul.f32 v21, v34;
	v34 =	vshra.s32 v8, $0xB;
	[tilespmem:v38+s22+$0x0] =	vst.idx.add.f32.msk $0xffff, v24;
	v24 =	vsub.f32 v4, v25  }
0x19f: {  	v8 =	vadd.f32 v45, v6;
	v16 =	vmul.f32 v16, v42;
	v17 =	vmul.f32 v17, v47;
	v38 =	vld.idx.msk [tilespmem:v56+s30+$0x0], $0xffff  }
0x1a0: {  	v22 =	vtrunc.f32 v22;
	v24 =	vsub.f32 v24, v19;
	v19 =	vmul.f32 v10, v19;
	[tilespmem:v29+s22+$0x0] =	vst.idx.add.f32.msk $0xffff, v35  }
0x1a1: {  	v22 =	vcvt.f32.s32 v22;
	v29 =	vmul.f32 v48, v51;
	v35 =	vand.u32 $0x7FF, v41;
	[tilespmem:v50+s22+$0x0] =	vst.idx.add.f32.msk $0xffff, v16  }
0x1a2: {  	v41 =	vmul.f32 v13, v15;
	[tilespmem:v26+s22+$0x0] =	vst.idx.add.f32.msk $0xffff, v17;
	v24 =	vmul.f32 v10, v24  }
0x1a3: {  	v13 =	vcvt.f32.s32 v39;
	v17 =	vshra.s32 v22, $0xB;
	v26 =	vadd.s32 $0x1, v30;
	[tilespmem:v43+s22+$0x0] =	vst.idx.add.f32.msk $0xffff, v46  }
0x1a4: {  	v15 =	vtrunc.f32 v18;
	v18 =	vadd.s32 $0x2, v30;
	v16 =	vsub.f32 v4, v51;
	v30 =	vld [tilespmem:s2+$0x70]  }
0x1a5: {  	v27 =	vand.u32 $0x7FF, v27;
	v39 =	vshra.s32 v13, $0xB;
	v42 =	vand.u32 $0x7FF, v13;
	[tilespmem:v32+s22+$0x0] =	vst.idx.add.f32.msk $0xffff, v36  }
0x1a6: {  	v16 =	vsub.f32 v16, v38;
	v32 =	vcvt.f32.s32 v15;
	v15 =	vmul.f32 v48, v38;
	v36 =	vld [tilespmem:s2+$0x60]  }
0x1a7: {  	v13 =	vadd.f32 v14, v6;
	v38 =	vld.idx.msk [tilespmem:v49+s29+$0x0], $0xffff  }
0x1a8: {  	v16 =	vmul.f32 v48, v16;
	v14 =	vshra.s32 v32, $0xB;
	[tilespmem:v31+s22+$0x0] =	vst.idx.add.f32.msk $0xffff, v21  }
0x1a9: {  	[tilespmem:v33+s22+$0x0] =	vst.idx.add.f32.msk $0xffff, v40  }
0x1aa: {  	v28 =	vadd.s32 v5, v28;
	v21 =	vld [tilespmem:s2+$0x50]  }
0x1ab: {  	v31 =	vld.idx.msk [tilespmem:v49+s30+$0x0], $0xffff  }
0x1ac: {  	v34 =	vadd.s32 v5, v34;
	v33 =	vld.idx.msk [tilespmem:v42+s29+$0x0], $0xffff  }
0x1ad: {  	[tilespmem:v26+s22+$0x0] =	vst.idx.add.f32.msk $0xffff, v37;
	v26 =	vadd.s32 $0x1, v28  }
0x1ae: {  	v10 =	vmul.f32 v10, v25;
	v37 =	vadd.s32 $0x2, v28;
	v25 =	vld.idx.msk [tilespmem:v42+s30+$0x0], $0xffff  }
0x1af: {  	[tilespmem:v18+s22+$0x0] =	vst.idx.add.f32.msk $0xffff, v23;
	v18 =	vadd.s32 v5, v39;
	v23 =	vsub.f32 v4, v38  }
0x1b0: {  	v38 =	vmul.f32 v36, v38;
	v39 =	vld.idx.msk [tilespmem:v27+s29+$0x0], $0xffff  }
0x1b1: {  	v11 =	vadd.s32 v5, v11;
	v40 =	vld [tilespmem:s2+$0x40];
	v23 =	vsub.f32 v23, v31;
	v31 =	vmul.f32 v36, v31  }
0x1b2: {  	v44 =	vadd.s32 $0x1, v34;
	v42 =	vadd.s32 $0x2, v11;
	v43 =	vmul.f32 v21, v33;
	v27 =	vld.idx.msk [tilespmem:v27+s30+$0x0], $0xffff  }
0x1b3: {  	v45 =	vadd.s32 v5, v52;
	v33 =	vsub.f32 v4, v33;
	v23 =	vmul.f32 v36, v23;
	v36 =	vld.idx.msk [tilespmem:v35+s29+$0x0], $0xffff  }
0x1b4: {  	v47 =	vadd.s32 $0x1, v45;
	v46 =	vadd.s32 $0x1, v11;
	[tilespmem:v18+s22+$0x0] =	vst.idx.add.f32.msk $0xffff, v43;
	v43 =	vmul.f32 v21, v25  }
0x1b5: {  	v22 =	vand.u32 $0x7FF, v22;
	v48 =	vadd.s32 $0x2, v45;
	v25 =	vsub.f32 v33, v25;
	v33 =	vld.idx.msk [tilespmem:v35+s30+$0x0], $0xffff  }
0x1b6: {  	[tilespmem:v11+s22+$0x0] =	vst.idx.add.f32.msk $0xffff, v10;
	v10 =	vsub.f32 v4, v39;
	v11 =	vmul.f32 v40, v39  }
0x1b7: {  	v21 =	vmul.f32 v21, v25;
	[tilespmem:v34+s22+$0x0] =	vst.idx.add.f32.msk $0xffff, v38  }
0x1b8: {  	v25 =	vmul.f32 v40, v27;
	v10 =	vsub.f32 v10, v27;
	[tilespmem:v44+s22+$0x0] =	vst.idx.add.f32.msk $0xffff, v23  }
0x1b9: {  	v20 =	vadd.s32 v5, v20;
	v23 =	vmul.f32 v30, v36;
	[tilespmem:v46+s22+$0x0] =	vst.idx.add.f32.msk $0xffff, v24  }
0x1ba: {  	v9 =	vtrunc.f32 v9;
	[tilespmem:v42+s22+$0x0] =	vst.idx.add.f32.msk $0xffff, v19;
	v10 =	vmul.f32 v40, v10;
	v19 =	vsub.f32 v4, v36  }
0x1bb: {  	v9 =	vcvt.f32.s32 v9;
	v12 =	vadd.s32 $0x2, v12;
	v27 =	vmul.f32 v30, v33;
	v24 =	vld [tilespmem:s2+$0x20]  }
0x1bc: {  	v35 =	vld.idx.msk [tilespmem:v22+s30+$0x0], $0xffff;
	v19 =	vsub.f32 v19, v33  }
0x1bd: {  	v33 =	vand.u32 $0x7FF, v9;
	v22 =	vld.idx.msk [tilespmem:v22+s29+$0x0], $0xffff  }
0x1be: {  	[tilespmem:v20+s22+$0x0] =	vst.idx.add.f32.msk $0xffff, v29;
	v29 =	vadd.s32 $0x2, v34;
	v19 =	vmul.f32 v30, v19  }
0x1bf: {  	[tilespmem:v45+s22+$0x0] =	vst.idx.add.f32.msk $0xffff, v11  }
0x1c0: {  	[tilespmem:v12+s22+$0x0] =	vst.idx.add.f32.msk $0xffff, v41  }
0x1c1: {  	v11 =	vld [tilespmem:s2+$0x0]  }
0x1c2: {  	v30 =	vmul.f32 v24, v35;
	v12 =	vld.idx.msk [tilespmem:v33+s30+$0x0], $0xffff  }
0x1c3: {  	v34 =	vsub.f32 v4, v22;
	v22 =	vmul.f32 v24, v22;
	[tilespmem:v47+s22+$0x0] =	vst.idx.add.f32.msk $0xffff, v10  }
0x1c4: {  	[tilespmem:v48+s22+$0x0] =	vst.idx.add.f32.msk $0xffff, v25  }
0x1c5: {  	v10 =	vand.u32 $0x7FF, v32;
	v25 =	vsub.f32 v34, v35;
	[tilespmem:v28+s22+$0x0] =	vst.idx.add.f32.msk $0xffff, v23  }
0x1c6: {  	[tilespmem:v26+s22+$0x0] =	vst.idx.add.f32.msk $0xffff, v19  }
0x1c7: {  	v17 =	vadd.s32 v5, v17;
	v19 =	vmul.f32 v24, v25;
	[tilespmem:v37+s22+$0x0] =	vst.idx.add.f32.msk $0xffff, v27  }
0x1c8: {  	v23 =	vadd.s32 $0x1, v18;
	[tilespmem:v29+s22+$0x0] =	vst.idx.add.f32.msk $0xffff, v31  }
0x1c9: {  	v25 =	vadd.s32 $0x1, v17;
	v24 =	vld.idx.msk [tilespmem:v33+s29+$0x0], $0xffff  }
0x1ca: {  	v26 =	vld.idx.msk [tilespmem:v10+s30+$0x0], $0xffff  }
0x1cb: {  	v9 =	vshra.s32 v9, $0xB;
	v27 =	vld.idx.msk [tilespmem:v10+s29+$0x0], $0xffff;
	v10 =	vadd.s32 $0x1, v20  }
0x1cc: {  	v28 =	vadd.s32 v5, v9;
	[tilespmem:v17+s22+$0x0] =	vst.idx.add.f32.msk $0xffff, v22  }
0x1cd: {  	v9 =	vmul.f32 v11, v12;
	v20 =	vadd.s32 $0x2, v20;
	[tilespmem:v23+s22+$0x0] =	vst.idx.add.f32.msk $0xffff, v21  }
0x1ce: {  	v18 =	vadd.s32 $0x2, v18;
	[tilespmem:v25+s22+$0x0] =	vst.idx.add.f32.msk $0xffff, v19  }
0x1cf: {  	v17 =	vadd.s32 $0x2, v17;
	v19 =	vsub.f32 v4, v24;
	v21 =	vmul.f32 v11, v24;
	v22 =	vld [tilespmem:s2+$0x10]  }
0x1d0: {  	v23 =	vadd.s32 $0x1, v28;
	[tilespmem:v10+s22+$0x0] =	vst.idx.add.f32.msk $0xffff, v16  }
.Ltmp5:
0x1d1: {  	v12 =	vsub.f32 v19, v12;
	v16 =	vadd.s32 $0x2, v28;
	v19 =	vsub.f32 v4, v27;
	[tilespmem:v28+s22+$0x0] =	vst.idx.add.f32.msk $0xffff, v21;
	(pc) =	sbr.rel @p1 .LBB2_9-.Ltmp5, $4  }
0x1d2: {  	v10 =	vadd.s32 v5, v14;
	[tilespmem:v20+s22+$0x0] =	vst.idx.add.f32.msk $0xffff, v15  }
0x1d3: {  	v20 =	vmul.f32 v11, v12;
	v19 =	vsub.f32 v19, v26;
	v11 =	vadd.s32 $0x1, v10;
	[tilespmem:v18+s22+$0x0] =	vst.idx.add.f32.msk $0xffff, v43  }
0x1d4: {  	v12 =	vadd.s32 $0x2, v10;
	v15 =	vmul.f32 v22, v27;
	v14 =	vmul.f32 v22, v26;
	[tilespmem:v17+s22+$0x0] =	vst.idx.add.f32.msk $0xffff, v30  }
0x1d5: {  	v17 =	vmul.f32 v22, v19;
	[tilespmem:v23+s22+$0x0] =	vst.idx.add.f32.msk $0xffff, v20  }
0x1d6: {  	_ = 	snop  }
0x1d7: {  	s17 =	sadd.s32 $0x1, s17  }
0x1d8: {  	p1 =	sne.s32 s17, $0x10  }
.Ltmp6:
0x1d9: {  	_ = 	snop;
	(pc) =	sbr.rel @p1 .LBB2_8-.Ltmp6, $4  }
0x1da: {  	[tilespmem:v16+s22+$0x0] =	vst.idx.add.f32.msk $0xffff, v9  }
0x1db: {  	[tilespmem:v10+s22+$0x0] =	vst.idx.add.f32.msk $0xffff, v15  }
0x1dc: {  	[tilespmem:v11+s22+$0x0] =	vst.idx.add.f32.msk $0xffff, v17  }
0x1dd: {  	s31 =	sadd.s32 $0x400, s31;
	[tilespmem:v12+s22+$0x0] =	vst.idx.add.f32.msk $0xffff, v14  }
.LBB2_11:
.Ltmp7:
0x1de: {  	(pc) =	sbr.rel @p0 .LBB2_13-.Ltmp7, $1  }
0x1df: {  	_ =	sdelay $0x3  }
.Ltmp8:
0x1e0: {  	(pc) =	sbr.rel .LBB2_4-.Ltmp8, $4  }
0x1e1: {  	_ = 	snop  }
0x1e2: {  	_ =	swait.ge [sflag:s25], $0x1000  }
0x1e3: {  	[sflag:s25] =	ssyncset.done $0x0  }
0x1e4: {  	s28 =	sadd.s32 $0x1, s28;
	[sflag:s25] =	ssyncadd.s32 $0xFFFFF000  }
.LBB2_13:
0x1e5: {  	[spmem:s12] =	stream.linear.scatter [tilespmem:s22], [sflag:$0x2], $0x8700, $0x38;
	[tilespmem:$0x1CEF0] =	vst v63  }
0x1e6: {  	_ =	swait.ge [sflag:s16], $0x8700  }
0x1e7: {  	[sflag:s16] =	ssyncset.done $0x0  }
0x1e8: {  	[sflag:s16] =	ssyncadd.s32 $0xFFFF7900  }
0x1e9: {  	[bflag:$0x0] =	sbarrier.arrive $0xFFFF  }
0x1ea: {  	[tilespmem:s23], [sflag:$0x2] =	stream.linear.gather [spmem:s13], $0x870, $0x38;
	[tilespmem:$0x1CEF0] =	vst v63  }
0x1eb: {  	_ =	swait.ge [sflag:s16], $0x870  }
0x1ec: {  	[sflag:s16] =	ssyncset.done $0x0  }
0x1ed: {  	s0 =	simm.s32 $0x0;
	[sflag:s16] =	ssyncadd.s32 $0xFFFFF790  }
.LBB2_14:
0x1ee: {  	s0 =	sadd.s32 $0x1, s0  }
0x1ef: {  	s2 =	smul.u32 $0x21C00, s0;
	_ =	sdelay $0x1  }
0x1f0: {  	s2 =	sshra.s32 s2, $0x2  }
0x1f1: {  	s2 =	sadd.s32 s2, s13  }
0x1f2: {  	[tilespmem:s24], [sflag:$0x2] =	stream.linear.gather [spmem:s2], $0x870, $0x38;
	[tilespmem:$0x1CEF0] =	vst v63  }
0x1f3: {  	_ =	swait.ge [sflag:s16], $0x870  }
0x1f4: {  	[sflag:s16] =	ssyncset.done $0x0  }
0x1f5: {  	s2 =	simm.s32 $0x13750;
	[sflag:s16] =	ssyncadd.s32 $0xFFFFF790  }
0x1f6: {  	s17 =	simm.s32 $0x13FC0;
	v2 =	vld [tilespmem:s2+$0xFFFFFFC0]  }
0x1f7: {  	v3 =	vld [tilespmem:s17+$0xFFFFFFC0];
	_ =	sdelay $0x4  }
0x1f8: {  	v2 =	vadd.f32 v3, v2;
	_ =	sdelay $0x1  }
0x1f9: {  	[tilespmem:s2+$0xFFFFFFC0] =	vst v2;
	v2 =	vld [tilespmem:s2+$0xFFFFFFD0]  }
0x1fa: {  	v3 =	vld [tilespmem:s17+$0xFFFFFFD0];
	_ =	sdelay $0x4  }
0x1fb: {  	v2 =	vadd.f32 v3, v2;
	_ =	sdelay $0x1  }
0x1fc: {  	[tilespmem:s2+$0xFFFFFFD0] =	vst v2;
	v2 =	vld [tilespmem:s2+$0xFFFFFFE0]  }
0x1fd: {  	v3 =	vld [tilespmem:s17+$0xFFFFFFE0];
	_ =	sdelay $0x4  }
0x1fe: {  	v2 =	vadd.f32 v3, v2;
	_ =	sdelay $0x1  }
0x1ff: {  	[tilespmem:s2+$0xFFFFFFE0] =	vst v2;
	v2 =	vld [tilespmem:s2+$0xFFFFFFF0]  }
0x200: {  	v3 =	vld [tilespmem:s17+$0xFFFFFFF0];
	_ =	sdelay $0x4  }
0x201: {  	v2 =	vadd.f32 v3, v2;
	_ =	sdelay $0x1  }
0x202: {  	[tilespmem:s2+$0xFFFFFFF0] =	vst v2;
	v2 =	vld [tilespmem:s2+$0x0]  }
0x203: {  	v3 =	vld [tilespmem:s17+$0x0];
	_ =	sdelay $0x4  }
0x204: {  	v2 =	vadd.f32 v3, v2;
	_ =	sdelay $0x1  }
0x205: {  	[tilespmem:s2+$0x0] =	vst v2;
	v2 =	vld [tilespmem:s2+$0x10]  }
0x206: {  	v3 =	vld [tilespmem:s17+$0x10];
	_ =	sdelay $0x4  }
0x207: {  	v2 =	vadd.f32 v3, v2;
	_ =	sdelay $0x1  }
0x208: {  	[tilespmem:s2+$0x10] =	vst v2;
	v2 =	vld [tilespmem:s2+$0x20]  }
0x209: {  	v3 =	vld [tilespmem:s17+$0x20];
	_ =	sdelay $0x4  }
0x20a: {  	v2 =	vadd.f32 v3, v2;
	_ =	sdelay $0x1  }
0x20b: {  	[tilespmem:s2+$0x20] =	vst v2;
	v2 =	vld [tilespmem:s2+$0x30]  }
0x20c: {  	v3 =	vld [tilespmem:s17+$0x30];
	_ =	sdelay $0x4  }
0x20d: {  	v2 =	vadd.f32 v3, v2  }
0x20e: {  	s28 =	simm.s32 $0x0;
	s29 =	simm.s32 $0x137D0  }
.LBB2_15:
0x20f: {  	v3 =	vld [tilespmem:s29+$0xFFFFFFC0];
	[tilespmem:s2+$0x30] =	vst v2;
	s17 =	sadd.s32 $0x80, s17;
	s2 =	smov.u32 s29  }
0x210: {  	s28 =	sadd.s32 $0x8, s28;
	v2 =	vld [tilespmem:s17+$0xFFFFFFC0]  }
0x211: {  	p0 =	slt.u32 s28, $0x78;
	_ =	sdelay $0x3  }
0x212: {  	v2 =	vadd.f32 v2, v3;
	_ =	sdelay $0x1  }
0x213: {  	[tilespmem:s29+$0xFFFFFFC0] =	vst v2;
	v2 =	vld [tilespmem:s29+$0xFFFFFFD0]  }
0x214: {  	v3 =	vld [tilespmem:s17+$0xFFFFFFD0];
	_ =	sdelay $0x4  }
0x215: {  	v2 =	vadd.f32 v3, v2;
	_ =	sdelay $0x1  }
0x216: {  	[tilespmem:s29+$0xFFFFFFD0] =	vst v2;
	v2 =	vld [tilespmem:s29+$0xFFFFFFE0]  }
0x217: {  	v3 =	vld [tilespmem:s17+$0xFFFFFFE0];
	_ =	sdelay $0x4  }
0x218: {  	v2 =	vadd.f32 v3, v2;
	_ =	sdelay $0x1  }
0x219: {  	[tilespmem:s29+$0xFFFFFFE0] =	vst v2;
	v2 =	vld [tilespmem:s29+$0xFFFFFFF0]  }
0x21a: {  	v3 =	vld [tilespmem:s17+$0xFFFFFFF0];
	_ =	sdelay $0x4  }
0x21b: {  	v2 =	vadd.f32 v3, v2;
	_ =	sdelay $0x1  }
0x21c: {  	[tilespmem:s29+$0xFFFFFFF0] =	vst v2;
	v2 =	vld [tilespmem:s29+$0x0]  }
0x21d: {  	v3 =	vld [tilespmem:s17+$0x0];
	_ =	sdelay $0x4  }
0x21e: {  	v2 =	vadd.f32 v3, v2;
	_ =	sdelay $0x1  }
0x21f: {  	[tilespmem:s29+$0x0] =	vst v2;
	v2 =	vld [tilespmem:s29+$0x10]  }
0x220: {  	v3 =	vld [tilespmem:s17+$0x10];
	_ =	sdelay $0x4  }
0x221: {  	v2 =	vadd.f32 v3, v2;
	_ =	sdelay $0x1  }
0x222: {  	[tilespmem:s29+$0x10] =	vst v2;
	v2 =	vld [tilespmem:s29+$0x20]  }
0x223: {  	v3 =	vld [tilespmem:s17+$0x20];
	_ =	sdelay $0x4  }
0x224: {  	v2 =	vadd.f32 v3, v2;
	_ =	sdelay $0x1  }
0x225: {  	[tilespmem:s29+$0x20] =	vst v2;
	v2 =	vld [tilespmem:s29+$0x30]  }
0x226: {  	v3 =	vld [tilespmem:s17+$0x30];
	_ =	sdelay $0x1  }
.Ltmp9:
0x227: {  	(pc) =	sbr.rel @p0 .LBB2_15-.Ltmp9, $3  }
0x228: {  	_ =	sdelay $0x1  }
0x229: {  	v2 =	vadd.f32 v3, v2  }
0x22a: {  	s29 =	sadd.s32 $0x80, s29  }
0x22b: {  	[tilespmem:s2+$0x30] =	vst v2  }
0x22c: {  	v2 =	vld [tilespmem:$0x13F10]  }
0x22d: {  	v3 =	vld [tilespmem:$0x14780]  }
0x22e: {  	v4 =	vld [tilespmem:$0x13F20]  }
0x22f: {  	v5 =	vld [tilespmem:$0x14790]  }
0x230: {  	v6 =	vld [tilespmem:$0x13F30]  }
0x231: {  	v7 =	vld [tilespmem:$0x147A0]  }
0x232: {  	v8 =	vld [tilespmem:$0x13F40]  }
0x233: {  	v9 =	vld [tilespmem:$0x147B0]  }
0x234: {  	v10 =	vld [tilespmem:$0x13F50]  }
0x235: {  	v11 =	vld [tilespmem:$0x147C0]  }
0x236: {  	v12 =	vld [tilespmem:$0x13F60]  }
0x237: {  	v13 =	vld [tilespmem:$0x147D0]  }
0x238: {  	v61 =	vld [tilespmem:$0x147E0];
	v2 =	vadd.f32 v3, v2  }
0x239: {  	v3 =	vld [tilespmem:$0x13F70];
	v4 =	vadd.f32 v5, v4  }
0x23a: {  	[tilespmem:$0x13F10] =	vst v2;
	v2 =	vadd.f32 v7, v6  }
0x23b: {  	p0 =	sne.s32 s0, $0xF;
	v62 =	vadd.f32 v9, v8;
	[tilespmem:$0x13F20] =	vst v4  }
.Ltmp10:
0x23c: {  	[tilespmem:$0x13F30] =	vst v2;
	v2 =	vadd.f32 v11, v10;
	(pc) =	sbr.rel @p0 .LBB2_14-.Ltmp10, $4  }
0x23d: {  	v63 =	vadd.f32 v13, v12;
	[tilespmem:$0x13F40] =	vst v62  }
0x23e: {  	[tilespmem:$0x13F50] =	vst v2;
	v2 =	vadd.f32 v61, v3  }
0x23f: {  	[tilespmem:$0x13F60] =	vst v63  }
0x240: {  	[tilespmem:$0x13F70] =	vst v2  }
0x241: {  	s26 =	sadd.s32 $0x1, s26  }
0x242: {  	p0 =	sne.s32 s26, s15  }
.Ltmp11:
0x243: {  	_ = 	snop;
	(pc) =	sbr.rel @p0 .LBB2_1-.Ltmp11, $4  }
0x244: {  	[hbm4b:s14+s1] =	stream.linear.scatter [tilespmem:s23], [sflag:$0x2], $0x870, $0x38;
	[tilespmem:$0x1CEF0] =	vst v63  }
0x245: {  	_ =	swait.ge [sflag:s16], $0x870  }
0x246: {  	[sflag:s16] =	ssyncset.done $0x0  }
0x247: {  	[sflag:s16] =	ssyncadd.s32 $0xFFFFF790  }
0x248: {  	_ =	sfence.sel $0x180000  }
0x249: {  	[bflag:$0x0] =	sbarrier.arrive $0xFFFF  }
0x24a: {  	_ =	strace $0x90000047  }
0x24b: {  	s0 =	stileid.u32;
	[bflag:$0x2] =	sbarrier.arrive $0xFFFF  }
0x24c: {  	p0 =	sne.s32 s0, $0x0;
	s0 =	rddreg [dreg:$0x3]  }
0x24d: {  	s0 =	sadd.s32 @!p0 $0x100000, s0  }
0x24e: {  	[sflag:s0] =	ssyncadd.tile.s32 @!p0 $0x1;
	_ =	shalt  }
.Lfunc_end2:
_tile_overlayer_lowered:
.L_overlay_start_2:
0x24f: {  	(tag) =	ssettag $0x2  }
0x250: {  	s0 =	rddreg [dreg:$0x0];
	s2 =	stileid.u32  }
0x251: {  	s1 =	rddreg [dreg:$0x1];
	p0 =	sne.s32 s2, $0x0  }
0x252: {  	s3 =	rddreg [dreg:$0x2];
	[bflag:$0x3] =	sbarrier.arrive $0xFFFF;
	s2 =	simm.s32 @!p0 $0x1C02  }
0x253: {  	[timem:s3], [sflag:s2] =	dma.local @!p0 [hbm:s0], s1  }
0x254: {  	s0 =	simm.s32 @!p0 $0x2  }
0x255: {  	_ =	swait.ge @!p0 [sflag:s0], s1  }
0x256: {  	s1 =	ssub.s32 @!p0 $0x0, s1;
	[sflag:s0] =	ssyncset.done @!p0 $0x0  }
0x257: {  	[sflag:s0] =	ssyncadd.s32 @!p0 s1  }
0x258: {  	[bflag:$0x3] =	sbarrier.arrive $0xFFFF  }
0x259: {  	_ =	shalt  }

</sc_bundles>
